<compile_context>
chip_gen: v7x
topology: tpu7x:2x2x1
jax: 0.10.2.dev20260603
libtpu: 0.0.44.dev20260713+nightly
codegen_flags: <defaults>
</compile_context>

<pallas_src>
import functools

import jax
import jax.numpy as jnp
from jax import lax
from jax.experimental import pallas as pl
from jax.experimental.pallas import tpu as pltpu
from jax.experimental.pallas import tpu_sc as plsc

N = 10000
E = 320000
D = 128
EPS = 1e-5

NCORES = 2
NSUB = 16
NW = NCORES * NSUB
NP = 10240
ROWS_PER_SUB = NP // NSUB
CHUNK = 128
CHUNKS_PER_W = -(-E // (NW * CHUNK))
E_PAD = NW * CHUNK * CHUNKS_PER_W
DEG_W = 16

ROW_BLK = 2000


def _proj_rows(x):
    d2 = jnp.sum(x * x, axis=1, keepdims=True)
    norm = jnp.sqrt(d2 + 1e-15)
    max_norm = 1.0 - EPS
    scale = jnp.where(norm > max_norm, max_norm / norm, jnp.ones_like(norm))
    return x * scale


def _pre_body(x_ref, w_ref, b_ref, h_ref, *, project):
    x = x_ref[...]
    if project:
        x = _proj_rows(x)
    h_ref[...] = (
        jnp.dot(x, w_ref[...], preferred_element_type=jnp.float32,
                precision=lax.Precision.HIGHEST)
        + b_ref[...]
    )


def _tc_pre(x, w, b, project):
    return pl.pallas_call(
        functools.partial(_pre_body, project=project),
        grid=(N // ROW_BLK,),
        in_specs=[
            pl.BlockSpec((ROW_BLK, D), lambda i: (i, 0)),
            pl.BlockSpec((D, D), lambda i: (0, 0)),
            pl.BlockSpec((1, D), lambda i: (0, 0)),
        ],
        out_specs=pl.BlockSpec((ROW_BLK, D), lambda i: (i, 0)),
        out_shape=jax.ShapeDtypeStruct((N, D), jnp.float32),
    )(x, w, b.reshape(1, D))


def _post_body(h_ref, p_ref, d_ref, o_ref, *, activation):
    h = h_ref[...]
    agg = p_ref[0] + p_ref[1]
    deg = d_ref[0][:, 0:1] + d_ref[1][:, 0:1]
    deg = jnp.maximum(deg, 1.0)
    out = _proj_rows(0.5 * (h + agg / deg))
    if activation:
        d2 = jnp.sum(out * out, axis=1, keepdims=True)
        denom = jnp.clip(1.0 - d2, 1e-7, None)
        arg = jnp.clip(1.0 + 2.0 * d2 / denom, 1.0 + 1e-7, None)
        nrm = jnp.log(arg + jnp.sqrt(arg * arg - 1.0))
        sig = 1.0 / (1.0 + jnp.exp(-nrm))
        out = _proj_rows(out * sig)
    o_ref[...] = out


def _tc_post(h, agg_p, deg_p, activation):
    return pl.pallas_call(
        functools.partial(_post_body, activation=activation),
        grid=(N // ROW_BLK,),
        in_specs=[
            pl.BlockSpec((ROW_BLK, D), lambda i: (i, 0)),
            pl.BlockSpec((NCORES, ROW_BLK, D), lambda i: (0, i, 0)),
            pl.BlockSpec((NCORES, ROW_BLK, DEG_W), lambda i: (0, i, 0)),
        ],
        out_specs=pl.BlockSpec((ROW_BLK, D), lambda i: (i, 0)),
        out_shape=jax.ShapeDtypeStruct((N, D), jnp.float32),
    )(h, agg_p, deg_p)


def _sc_agg_body(h_hbm, src_hbm, dst_hbm, zagg_hbm, zdeg_hbm, ones_hbm,
                 agg_out, deg_out, src_v, dst_v, rows_v, ones_v,
                 acc_sh, dacc_sh, sem):
    c = lax.axis_index("c")
    s = lax.axis_index("s")
    wid = c * NSUB + s
    r0 = s * ROWS_PER_SUB
    pltpu.sync_copy(zagg_hbm, acc_sh.at[pl.ds(r0, ROWS_PER_SUB)])
    pltpu.sync_copy(zdeg_hbm, dacc_sh.at[pl.ds(r0, ROWS_PER_SUB)])
    pltpu.sync_copy(ones_hbm, ones_v)
    plsc.subcore_barrier()
    e0 = wid * (CHUNKS_PER_W * CHUNK)

    def body(j, carry):
        base = e0 + j * CHUNK
        pltpu.sync_copy(src_hbm.at[pl.ds(base, CHUNK)], src_v)
        pltpu.sync_copy(dst_hbm.at[pl.ds(base, CHUNK)], dst_v.at[0])
        pltpu.async_copy(h_hbm.at[src_v], rows_v, sem).wait()
        pltpu.sync_copy(rows_v, acc_sh.at[dst_v.at[0]], add=True)
        pltpu.sync_copy(ones_v, dacc_sh.at[dst_v.at[0]], add=True)
        return carry

    lax.fori_loop(0, CHUNKS_PER_W, body, 0)
    plsc.subcore_barrier()
    out_base = c * NP + r0
    pltpu.sync_copy(acc_sh.at[pl.ds(r0, ROWS_PER_SUB)],
                    agg_out.at[pl.ds(out_base, ROWS_PER_SUB)])
    pltpu.sync_copy(dacc_sh.at[pl.ds(r0, ROWS_PER_SUB)],
                    deg_out.at[pl.ds(out_base, ROWS_PER_SUB)])


@functools.cache
def _sc_agg():
    mesh = plsc.VectorSubcoreMesh(core_axis_name="c", subcore_axis_name="s",
                                  num_cores=NCORES, num_subcores=NSUB)
    return pl.kernel(
        _sc_agg_body,
        out_type=(
            jax.ShapeDtypeStruct((NCORES * NP, D), jnp.float32),
            jax.ShapeDtypeStruct((NCORES * NP, DEG_W), jnp.float32),
        ),
        mesh=mesh,
        compiler_params=pltpu.CompilerParams(use_tc_tiling_on_sc=False),
        scratch_types=[
            pltpu.VMEM((CHUNK,), jnp.int32),
            pltpu.VMEM((1, CHUNK), jnp.int32),
            pltpu.VMEM((CHUNK, D), jnp.float32),
            pltpu.VMEM((CHUNK, DEG_W), jnp.float32),
            pltpu.VMEM_SHARED((NP, D), jnp.float32),
            pltpu.VMEM_SHARED((NP, DEG_W), jnp.float32),
            pltpu.SemaphoreType.DMA,
        ],
    )


def kernel(x, edge_index, W1, b1, W2, b2):
    src = edge_index[0].astype(jnp.int32)
    dst = edge_index[1].astype(jnp.int32)
    pad = E_PAD - E
    src = jnp.concatenate([src, jnp.zeros((pad,), jnp.int32)])
    dst = jnp.concatenate([dst, jnp.full((pad,), N, jnp.int32)])
    zagg = jnp.zeros((ROWS_PER_SUB, D), jnp.float32)
    zdeg = jnp.zeros((ROWS_PER_SUB, DEG_W), jnp.float32)
    ones = jnp.ones((CHUNK, DEG_W), jnp.float32)

    h1 = _tc_pre(x, W1, b1, project=True)
    agg1, deg1 = _sc_agg()(h1, src, dst, zagg, zdeg, ones)
    y1 = _tc_post(h1, agg1.reshape(NCORES, NP, D),
                  deg1.reshape(NCORES, NP, DEG_W), activation=True)
    h2 = _tc_pre(y1, W2, b2, project=False)
    agg2, deg2 = _sc_agg()(h2, src, dst, zagg, zdeg, ones)
    out = _tc_post(h2, agg2.reshape(NCORES, NP, D),
                   deg2.reshape(NCORES, NP, DEG_W), activation=False)
    return out

# --- scband reference (transcript-rebuilt; emitter-appended) ---
"""Pipeline reference for scband-hyperbolic-graph-sage-50122268345009 (READ-ONLY COPY).

The authoritative reference and input builder live on the scoring server;
editing this copy changes nothing except your own understanding.
"""

import jax, jax.numpy as jnp
import numpy as np

N = 10000
E = 320000
D = 128
EPS = 1e-5


def proj_manifold(x):
    # Project points onto the open Poincare ball (norm < 1 - EPS)
    norm = jnp.sqrt(jnp.sum(x * x, axis=-1, keepdims=True) + 1e-15)
    max_norm = 1.0 - EPS
    scale = jnp.where(norm > max_norm, max_norm / norm, jnp.ones_like(norm))
    return x * scale


def dist_to_origin(x):
    # Poincare distance d(x, 0) = arccosh(1 + 2||x||^2 / (1 - ||x||^2))
    d2 = jnp.sum(x * x, axis=-1)
    denom = jnp.clip(1.0 - d2, 1e-7, None)
    arg = jnp.clip(1.0 + 2.0 * d2 / denom, 1.0 + 1e-7, None)
    return jnp.arccosh(arg)


def hyperbolic_activation(x):
    norm = dist_to_origin(x)
    activated = x * jax.nn.sigmoid(norm)[..., None]
    return proj_manifold(activated)


def hyperbolic_graph_conv(x, edge_index, W, b):
    # Linear transform then mean-aggregate neighbor messages (scatter-add / degree),
    # combine with self representation, project back to the manifold.
    h = x @ W + b
    src = edge_index[0]
    dst = edge_index[1]
    msg = jnp.take(h, src, axis=0)                                   # gather [E, D]
    agg = jax.ops.segment_sum(msg, dst, num_segments=N)              # scatter-add [N, D]
    deg = jax.ops.segment_sum(jnp.ones((E,), dtype=h.dtype), dst, num_segments=N)
    deg = jnp.clip(deg, 1.0, None)
    agg = agg / deg[:, None]
    out = 0.5 * (h + agg)
    return proj_manifold(out)


def setup_inputs(seed: int = 0) -> dict:
    key = jax.random.key(seed)
    k1, k2, k3, k4, k5, k6 = jax.random.split(key, 6)
    x = jax.random.normal(k1, (N, D), dtype=jnp.float32)
    edge_index = jax.random.randint(k2, (2, E), 0, N, dtype=jnp.int64)
    s = 1.0 / np.sqrt(D)
    W1 = jax.random.normal(k3, (D, D), dtype=jnp.float32) * s
    b1 = jnp.zeros((D,), dtype=jnp.float32)
    W2 = jax.random.normal(k4, (D, D), dtype=jnp.float32) * s
    b2 = jnp.zeros((D,), dtype=jnp.float32)
    return {"x": x, "edge_index": edge_index, "W1": W1, "b1": b1, "W2": W2, "b2": b2}


def reference(x, edge_index, W1, b1, W2, b2):
    # Faithful translation of HyperbolicGraphSAGE.forward (eval mode, num_layers=2):
    # project onto manifold, layer 1, hyperbolic activation, layer 2.
    x = proj_manifold(x)
    x = hyperbolic_graph_conv(x, edge_index, W1, b1)
    x = hyperbolic_activation(x)
    x = hyperbolic_graph_conv(x, edge_index, W2, b2)
    return x

if __name__ == "__main__":
    import jax
    _d = setup_inputs()
    print(jax.jit(kernel)(*tuple(_d.values())))

</pallas_src>

<mosaic_0001>
#map = affine_map<(d0, d1) -> (0, 0)>
#map1 = affine_map<(d0, d1) -> (0)>
module attributes {stable_mosaic.version = 14 : i64} {
  func.func @_sc_agg_body(%arg0: i32, %arg1: i32, %arg2: memref<10000x128xf32, #tpu.memory_space<hbm>>, %arg3: memref<323584xi32, #tpu.memory_space<hbm>>, %arg4: memref<323584xi32, #tpu.memory_space<hbm>>, %arg5: memref<640x128xf32, #tpu.memory_space<hbm>>, %arg6: memref<640x16xf32, #tpu.memory_space<hbm>>, %arg7: memref<128x16xf32, #tpu.memory_space<hbm>>, %arg8: memref<20480x128xf32, #tpu.memory_space<hbm>>, %arg9: memref<20480x16xf32, #tpu.memory_space<hbm>>, %arg10: memref<128xi32, #tpu.memory_space<vmem>>, %arg11: memref<1x128xi32, #tpu.memory_space<vmem>>, %arg12: memref<128x128xf32, #tpu.memory_space<vmem>>, %arg13: memref<128x16xf32, #tpu.memory_space<vmem>>, %arg14: memref<10240x128xf32, #tpu.memory_space<vmem_shared>>, %arg15: memref<10240x16xf32, #tpu.memory_space<vmem_shared>>, %arg16: memref<!tpu.dma_semaphore, #tpu.memory_space<semaphore_mem>>) attributes {dimension_semantics = [#tpu.dimension_semantics<core_parallel>, #tpu.dimension_semantics<subcore_parallel>], iteration_bounds = array<i64: 2, 16>, scalar_prefetch = 0 : i64, scratch_operands = 7 : i64, tpu.core_type = #tpu.core_type<sc_vector_subcore>, window_params = [{transform_indices = #map}, {transform_indices = #map1}, {transform_indices = #map1}, {transform_indices = #map}, {transform_indices = #map}, {transform_indices = #map}, {transform_indices = #map}, {transform_indices = #map}]} {
    %mul3A = arith.constant 16 : i32
    %mul3A_0 = arith.muli %arg0, %mul3A : i32
    %add3A = arith.addi %mul3A_0, %arg1 : i32
    %mul3A_1 = arith.constant 640 : i32
    %mul3A_2 = arith.muli %arg1, %mul3A_1 : i32
    "tpu.region"() ({
      %run_scoped3A = tpu.sem_alloc : memref<!tpu.dma_semaphore, #tpu.memory_space<semaphore_mem>>
      %dma_start3A = arith.constant 0 : i32
      %dma_start3A_14 = tpu.memref_slice %arg14[%mul3A_2, %dma_start3A] : memref<10240x128xf32, #tpu.memory_space<vmem_shared>> -> memref<640x128xf32, #tpu.memory_space<vmem_shared>>
      tpu.enqueue_dma source(%arg5 : memref<640x128xf32, #tpu.memory_space<hbm>>) target(%dma_start3A_14 : memref<640x128xf32, #tpu.memory_space<vmem_shared>>) target_semaphore(%run_scoped3A : memref<!tpu.dma_semaphore, #tpu.memory_space<semaphore_mem>>)
      %dma_wait3A = arith.constant 0 : i32
      %dma_wait3A_15 = tpu.memref_slice %arg14[%mul3A_2, %dma_wait3A] : memref<10240x128xf32, #tpu.memory_space<vmem_shared>> -> memref<640x128xf32, #tpu.memory_space<vmem_shared>>
      tpu.wait_dma2 semaphore(%run_scoped3A : memref<!tpu.dma_semaphore, #tpu.memory_space<semaphore_mem>>) src(%arg5 : memref<640x128xf32, #tpu.memory_space<hbm>>) dst(%dma_wait3A_15 : memref<640x128xf32, #tpu.memory_space<vmem_shared>>)
      tpu.yield
    }) : () -> ()
    "tpu.region"() ({
      %run_scoped3A = tpu.sem_alloc : memref<!tpu.dma_semaphore, #tpu.memory_space<semaphore_mem>>
      %dma_start3A = arith.constant 0 : i32
      %dma_start3A_14 = tpu.memref_slice %arg15[%mul3A_2, %dma_start3A] : memref<10240x16xf32, #tpu.memory_space<vmem_shared>> -> memref<640x16xf32, #tpu.memory_space<vmem_shared>>
      tpu.enqueue_dma source(%arg6 : memref<640x16xf32, #tpu.memory_space<hbm>>) target(%dma_start3A_14 : memref<640x16xf32, #tpu.memory_space<vmem_shared>>) target_semaphore(%run_scoped3A : memref<!tpu.dma_semaphore, #tpu.memory_space<semaphore_mem>>)
      %dma_wait3A = arith.constant 0 : i32
      %dma_wait3A_15 = tpu.memref_slice %arg15[%mul3A_2, %dma_wait3A] : memref<10240x16xf32, #tpu.memory_space<vmem_shared>> -> memref<640x16xf32, #tpu.memory_space<vmem_shared>>
      tpu.wait_dma2 semaphore(%run_scoped3A : memref<!tpu.dma_semaphore, #tpu.memory_space<semaphore_mem>>) src(%arg6 : memref<640x16xf32, #tpu.memory_space<hbm>>) dst(%dma_wait3A_15 : memref<640x16xf32, #tpu.memory_space<vmem_shared>>)
      tpu.yield
    }) : () -> ()
    "tpu.region"() ({
      %run_scoped3A = tpu.sem_alloc : memref<!tpu.dma_semaphore, #tpu.memory_space<semaphore_mem>>
      tpu.enqueue_dma source(%arg7 : memref<128x16xf32, #tpu.memory_space<hbm>>) target(%arg13 : memref<128x16xf32, #tpu.memory_space<vmem>>) target_semaphore(%run_scoped3A : memref<!tpu.dma_semaphore, #tpu.memory_space<semaphore_mem>>)
      tpu.wait_dma2 semaphore(%run_scoped3A : memref<!tpu.dma_semaphore, #tpu.memory_space<semaphore_mem>>) src(%arg7 : memref<128x16xf32, #tpu.memory_space<hbm>>) dst(%arg13 : memref<128x16xf32, #tpu.memory_space<vmem>>)
      tpu.yield
    }) : () -> ()
    %barrier3A = arith.constant 0 : index
    tpu.barrier barrier_id(%barrier3A)
    %mul3A_3 = arith.constant 10112 : i32
    %mul3A_4 = arith.muli %add3A, %mul3A_3 : i32
    %scan3A = arith.constant 0 : i32
    %scan3A_5 = arith.constant 0 : i32
    %scan3A_6 = arith.constant 79 : i32
    %scan3A_7 = arith.addi %scan3A_5, %scan3A_6 : i32
    %scan3A_8 = arith.constant 1 : i32
    scf.for %scan3A_14 = %scan3A_5 to %scan3A_7 step %scan3A_8  : i32 {
      %mul3A_15 = arith.constant 128 : i32
      %mul3A_16 = arith.muli %scan3A_14, %mul3A_15 : i32
      %add3A_17 = arith.addi %mul3A_4, %mul3A_16 : i32
      "tpu.region"() ({
        %run_scoped3A_24 = tpu.sem_alloc : memref<!tpu.dma_semaphore, #tpu.memory_space<semaphore_mem>>
        %dma_start3A_25 = tpu.memref_slice %arg3[%add3A_17] : memref<323584xi32, #tpu.memory_space<hbm>> -> memref<128xi32, #tpu.memory_space<hbm>>
        %dma_start3A_26 = tpu.memref_slice %arg3[%add3A_17] : memref<323584xi32, #tpu.memory_space<hbm>> -> memref<128xi32, #tpu.memory_space<hbm>>
        tpu.enqueue_dma source(%dma_start3A_26 : memref<128xi32, #tpu.memory_space<hbm>>) target(%arg10 : memref<128xi32, #tpu.memory_space<vmem>>) target_semaphore(%run_scoped3A_24 : memref<!tpu.dma_semaphore, #tpu.memory_space<semaphore_mem>>)
        %dma_wait3A_27 = tpu.memref_slice %arg3[%add3A_17] : memref<323584xi32, #tpu.memory_space<hbm>> -> memref<128xi32, #tpu.memory_space<hbm>>
        %dma_wait3A_28 = tpu.memref_slice %arg3[%add3A_17] : memref<323584xi32, #tpu.memory_space<hbm>> -> memref<128xi32, #tpu.memory_space<hbm>>
        tpu.wait_dma2 semaphore(%run_scoped3A_24 : memref<!tpu.dma_semaphore, #tpu.memory_space<semaphore_mem>>) src(%dma_wait3A_28 : memref<128xi32, #tpu.memory_space<hbm>>) dst(%arg10 : memref<128xi32, #tpu.memory_space<vmem>>)
        tpu.yield
      }) : () -> ()
      %run_scoped3A = arith.constant 0 : i32
      "tpu.region"() ({
        %run_scoped3A_24 = tpu.sem_alloc : memref<!tpu.dma_semaphore, #tpu.memory_space<semaphore_mem>>
        %dma_start3A_25 = arith.constant 0 : i32
        %dma_start3A_26 = tpu.memref_slice %arg11[%run_scoped3A, %dma_start3A_25] : memref<1x128xi32, #tpu.memory_space<vmem>> -> memref<1x128xi32, #tpu.memory_space<vmem>>
        %dma_start3A_27 = tpu.memref_squeeze %dma_start3A_26 : memref<1x128xi32, #tpu.memory_space<vmem>> -> memref<128xi32, #tpu.memory_space<vmem>>
        %dma_start3A_28 = tpu.memref_slice %arg4[%add3A_17] : memref<323584xi32, #tpu.memory_space<hbm>> -> memref<128xi32, #tpu.memory_space<hbm>>
        %dma_start3A_29 = arith.constant 0 : i32
        %dma_start3A_30 = tpu.memref_slice %arg11[%run_scoped3A, %dma_start3A_29] : memref<1x128xi32, #tpu.memory_space<vmem>> -> memref<1x128xi32, #tpu.memory_space<vmem>>
        %dma_start3A_31 = tpu.memref_squeeze %dma_start3A_30 : memref<1x128xi32, #tpu.memory_space<vmem>> -> memref<128xi32, #tpu.memory_space<vmem>>
        %dma_start3A_32 = tpu.memref_slice %arg4[%add3A_17] : memref<323584xi32, #tpu.memory_space<hbm>> -> memref<128xi32, #tpu.memory_space<hbm>>
        tpu.enqueue_dma source(%dma_start3A_32 : memref<128xi32, #tpu.memory_space<hbm>>) target(%dma_start3A_31 : memref<128xi32, #tpu.memory_space<vmem>>) target_semaphore(%run_scoped3A_24 : memref<!tpu.dma_semaphore, #tpu.memory_space<semaphore_mem>>)
        %dma_wait3A_33 = arith.constant 0 : i32
        %dma_wait3A_34 = tpu.memref_slice %arg11[%run_scoped3A, %dma_wait3A_33] : memref<1x128xi32, #tpu.memory_space<vmem>> -> memref<1x128xi32, #tpu.memory_space<vmem>>
        %dma_wait3A_35 = tpu.memref_squeeze %dma_wait3A_34 : memref<1x128xi32, #tpu.memory_space<vmem>> -> memref<128xi32, #tpu.memory_space<vmem>>
        %dma_wait3A_36 = tpu.memref_slice %arg4[%add3A_17] : memref<323584xi32, #tpu.memory_space<hbm>> -> memref<128xi32, #tpu.memory_space<hbm>>
        %dma_wait3A_37 = arith.constant 0 : i32
        %dma_wait3A_38 = tpu.memref_slice %arg11[%run_scoped3A, %dma_wait3A_37] : memref<1x128xi32, #tpu.memory_space<vmem>> -> memref<1x128xi32, #tpu.memory_space<vmem>>
        %dma_wait3A_39 = tpu.memref_squeeze %dma_wait3A_38 : memref<1x128xi32, #tpu.memory_space<vmem>> -> memref<128xi32, #tpu.memory_space<vmem>>
        %dma_wait3A_40 = tpu.memref_slice %arg4[%add3A_17] : memref<323584xi32, #tpu.memory_space<hbm>> -> memref<128xi32, #tpu.memory_space<hbm>>
        tpu.wait_dma2 semaphore(%run_scoped3A_24 : memref<!tpu.dma_semaphore, #tpu.memory_space<semaphore_mem>>) src(%dma_wait3A_40 : memref<128xi32, #tpu.memory_space<hbm>>) dst(%dma_wait3A_39 : memref<128xi32, #tpu.memory_space<vmem>>)
        tpu.yield
      }) : () -> ()
      %dma_start3A = arith.constant 0 : i32
      %dma_start3A_18 = arith.constant 0 : i32
      %dma_start3A_19 = tpu.memref_slice %arg2[%dma_start3A, %dma_start3A_18] : memref<10000x128xf32, #tpu.memory_space<hbm>> -> memref<10000x128xf32, #tpu.memory_space<hbm>>
      tpu.enqueue_indirect_dma source(%dma_start3A_19 : memref<10000x128xf32, #tpu.memory_space<hbm>>) target(%arg12 : memref<128x128xf32, #tpu.memory_space<vmem>>) offsets(%arg10 : memref<128xi32, #tpu.memory_space<vmem>>) semaphore(%arg16 : memref<!tpu.dma_semaphore, #tpu.memory_space<semaphore_mem>>)
      %dma_wait3A = arith.constant 0 : i32
      %dma_wait3A_20 = arith.constant 0 : i32
      %dma_wait3A_21 = tpu.memref_slice %arg2[%dma_wait3A, %dma_wait3A_20] : memref<10000x128xf32, #tpu.memory_space<hbm>> -> memref<10000x128xf32, #tpu.memory_space<hbm>>
      tpu.wait_indirect_dma semaphore(%arg16 : memref<!tpu.dma_semaphore, #tpu.memory_space<semaphore_mem>>) src(%dma_wait3A_21 : memref<10000x128xf32, #tpu.memory_space<hbm>>) dst(%arg12 : memref<128x128xf32, #tpu.memory_space<vmem>>)
      %run_scoped3A_22 = arith.constant 0 : i32
      "tpu.region"() ({
        %run_scoped3A_24 = tpu.sem_alloc : memref<!tpu.dma_semaphore, #tpu.memory_space<semaphore_mem>>
        %dma_start3A_25 = arith.constant 0 : i32
        %dma_start3A_26 = tpu.memref_slice %arg11[%run_scoped3A_22, %dma_start3A_25] : memref<1x128xi32, #tpu.memory_space<vmem>> -> memref<1x128xi32, #tpu.memory_space<vmem>>
        %dma_start3A_27 = tpu.memref_squeeze %dma_start3A_26 : memref<1x128xi32, #tpu.memory_space<vmem>> -> memref<128xi32, #tpu.memory_space<vmem>>
        %dma_start3A_28 = arith.constant 0 : i32
        %dma_start3A_29 = arith.constant 0 : i32
        %dma_start3A_30 = tpu.memref_slice %arg14[%dma_start3A_28, %dma_start3A_29] : memref<10240x128xf32, #tpu.memory_space<vmem_shared>> -> memref<10240x128xf32, #tpu.memory_space<vmem_shared>>
        tpu.enqueue_indirect_dma source(%arg12 : memref<128x128xf32, #tpu.memory_space<vmem>>) target(%dma_start3A_30 : memref<10240x128xf32, #tpu.memory_space<vmem_shared>>) offsets(%dma_start3A_27 : memref<128xi32, #tpu.memory_space<vmem>>) semaphore(%run_scoped3A_24 : memref<!tpu.dma_semaphore, #tpu.memory_space<semaphore_mem>>) {add = true}
        %dma_wait3A_31 = arith.constant 0 : i32
        %dma_wait3A_32 = tpu.memref_slice %arg11[%run_scoped3A_22, %dma_wait3A_31] : memref<1x128xi32, #tpu.memory_space<vmem>> -> memref<1x128xi32, #tpu.memory_space<vmem>>
        %dma_wait3A_33 = tpu.memref_squeeze %dma_wait3A_32 : memref<1x128xi32, #tpu.memory_space<vmem>> -> memref<128xi32, #tpu.memory_space<vmem>>
        %dma_wait3A_34 = arith.constant 0 : i32
        %dma_wait3A_35 = arith.constant 0 : i32
        %dma_wait3A_36 = tpu.memref_slice %arg14[%dma_wait3A_34, %dma_wait3A_35] : memref<10240x128xf32, #tpu.memory_space<vmem_shared>> -> memref<10240x128xf32, #tpu.memory_space<vmem_shared>>
        tpu.wait_indirect_dma semaphore(%run_scoped3A_24 : memref<!tpu.dma_semaphore, #tpu.memory_space<semaphore_mem>>) src(%arg12 : memref<128x128xf32, #tpu.memory_space<vmem>>) dst(%dma_wait3A_36 : memref<10240x128xf32, #tpu.memory_space<vmem_shared>>)
        tpu.yield
      }) : () -> ()
      %run_scoped3A_23 = arith.constant 0 : i32
      "tpu.region"() ({
        %run_scoped3A_24 = tpu.sem_alloc : memref<!tpu.dma_semaphore, #tpu.memory_space<semaphore_mem>>
        %dma_start3A_25 = arith.constant 0 : i32
        %dma_start3A_26 = tpu.memref_slice %arg11[%run_scoped3A_23, %dma_start3A_25] : memref<1x128xi32, #tpu.memory_space<vmem>> -> memref<1x128xi32, #tpu.memory_space<vmem>>
        %dma_start3A_27 = tpu.memref_squeeze %dma_start3A_26 : memref<1x128xi32, #tpu.memory_space<vmem>> -> memref<128xi32, #tpu.memory_space<vmem>>
        %dma_start3A_28 = arith.constant 0 : i32
        %dma_start3A_29 = arith.constant 0 : i32
        %dma_start3A_30 = tpu.memref_slice %arg15[%dma_start3A_28, %dma_start3A_29] : memref<10240x16xf32, #tpu.memory_space<vmem_shared>> -> memref<10240x16xf32, #tpu.memory_space<vmem_shared>>
        tpu.enqueue_indirect_dma source(%arg13 : memref<128x16xf32, #tpu.memory_space<vmem>>) target(%dma_start3A_30 : memref<10240x16xf32, #tpu.memory_space<vmem_shared>>) offsets(%dma_start3A_27 : memref<128xi32, #tpu.memory_space<vmem>>) semaphore(%run_scoped3A_24 : memref<!tpu.dma_semaphore, #tpu.memory_space<semaphore_mem>>) {add = true}
        %dma_wait3A_31 = arith.constant 0 : i32
        %dma_wait3A_32 = tpu.memref_slice %arg11[%run_scoped3A_23, %dma_wait3A_31] : memref<1x128xi32, #tpu.memory_space<vmem>> -> memref<1x128xi32, #tpu.memory_space<vmem>>
        %dma_wait3A_33 = tpu.memref_squeeze %dma_wait3A_32 : memref<1x128xi32, #tpu.memory_space<vmem>> -> memref<128xi32, #tpu.memory_space<vmem>>
        %dma_wait3A_34 = arith.constant 0 : i32
        %dma_wait3A_35 = arith.constant 0 : i32
        %dma_wait3A_36 = tpu.memref_slice %arg15[%dma_wait3A_34, %dma_wait3A_35] : memref<10240x16xf32, #tpu.memory_space<vmem_shared>> -> memref<10240x16xf32, #tpu.memory_space<vmem_shared>>
        tpu.wait_indirect_dma semaphore(%run_scoped3A_24 : memref<!tpu.dma_semaphore, #tpu.memory_space<semaphore_mem>>) src(%arg13 : memref<128x16xf32, #tpu.memory_space<vmem>>) dst(%dma_wait3A_36 : memref<10240x16xf32, #tpu.memory_space<vmem_shared>>)
        tpu.yield
      }) : () -> ()
    }
    %scan3A_9 = arith.constant 79 : i32
    %barrier3A_10 = arith.constant 0 : index
    tpu.barrier barrier_id(%barrier3A_10)
    %mul3A_11 = arith.constant 10240 : i32
    %mul3A_12 = arith.muli %arg0, %mul3A_11 : i32
    %add3A_13 = arith.addi %mul3A_12, %mul3A_2 : i32
    "tpu.region"() ({
      %run_scoped3A = tpu.sem_alloc : memref<!tpu.dma_semaphore, #tpu.memory_space<semaphore_mem>>
      %dma_start3A = arith.constant 0 : i32
      %dma_start3A_14 = tpu.memref_slice %arg8[%add3A_13, %dma_start3A] : memref<20480x128xf32, #tpu.memory_space<hbm>> -> memref<640x128xf32, #tpu.memory_space<hbm>>
      %dma_start3A_15 = arith.constant 0 : i32
      %dma_start3A_16 = tpu.memref_slice %arg14[%mul3A_2, %dma_start3A_15] : memref<10240x128xf32, #tpu.memory_space<vmem_shared>> -> memref<640x128xf32, #tpu.memory_space<vmem_shared>>
      tpu.enqueue_dma source(%dma_start3A_16 : memref<640x128xf32, #tpu.memory_space<vmem_shared>>) target(%dma_start3A_14 : memref<640x128xf32, #tpu.memory_space<hbm>>) target_semaphore(%run_scoped3A : memref<!tpu.dma_semaphore, #tpu.memory_space<semaphore_mem>>)
      %dma_wait3A = arith.constant 0 : i32
      %dma_wait3A_17 = tpu.memref_slice %arg8[%add3A_13, %dma_wait3A] : memref<20480x128xf32, #tpu.memory_space<hbm>> -> memref<640x128xf32, #tpu.memory_space<hbm>>
      %dma_wait3A_18 = arith.constant 0 : i32
      %dma_wait3A_19 = tpu.memref_slice %arg14[%mul3A_2, %dma_wait3A_18] : memref<10240x128xf32, #tpu.memory_space<vmem_shared>> -> memref<640x128xf32, #tpu.memory_space<vmem_shared>>
      tpu.wait_dma2 semaphore(%run_scoped3A : memref<!tpu.dma_semaphore, #tpu.memory_space<semaphore_mem>>) src(%dma_wait3A_19 : memref<640x128xf32, #tpu.memory_space<vmem_shared>>) dst(%dma_wait3A_17 : memref<640x128xf32, #tpu.memory_space<hbm>>)
      tpu.yield
    }) : () -> ()
    "tpu.region"() ({
      %run_scoped3A = tpu.sem_alloc : memref<!tpu.dma_semaphore, #tpu.memory_space<semaphore_mem>>
      %dma_start3A = arith.constant 0 : i32
      %dma_start3A_14 = tpu.memref_slice %arg9[%add3A_13, %dma_start3A] : memref<20480x16xf32, #tpu.memory_space<hbm>> -> memref<640x16xf32, #tpu.memory_space<hbm>>
      %dma_start3A_15 = arith.constant 0 : i32
      %dma_start3A_16 = tpu.memref_slice %arg15[%mul3A_2, %dma_start3A_15] : memref<10240x16xf32, #tpu.memory_space<vmem_shared>> -> memref<640x16xf32, #tpu.memory_space<vmem_shared>>
      tpu.enqueue_dma source(%dma_start3A_16 : memref<640x16xf32, #tpu.memory_space<vmem_shared>>) target(%dma_start3A_14 : memref<640x16xf32, #tpu.memory_space<hbm>>) target_semaphore(%run_scoped3A : memref<!tpu.dma_semaphore, #tpu.memory_space<semaphore_mem>>)
      %dma_wait3A = arith.constant 0 : i32
      %dma_wait3A_17 = tpu.memref_slice %arg9[%add3A_13, %dma_wait3A] : memref<20480x16xf32, #tpu.memory_space<hbm>> -> memref<640x16xf32, #tpu.memory_space<hbm>>
      %dma_wait3A_18 = arith.constant 0 : i32
      %dma_wait3A_19 = tpu.memref_slice %arg15[%mul3A_2, %dma_wait3A_18] : memref<10240x16xf32, #tpu.memory_space<vmem_shared>> -> memref<640x16xf32, #tpu.memory_space<vmem_shared>>
      tpu.wait_dma2 semaphore(%run_scoped3A : memref<!tpu.dma_semaphore, #tpu.memory_space<semaphore_mem>>) src(%dma_wait3A_19 : memref<640x16xf32, #tpu.memory_space<vmem_shared>>) dst(%dma_wait3A_17 : memref<640x16xf32, #tpu.memory_space<hbm>>)
      tpu.yield
    }) : () -> ()
    return
  }
}

#map = affine_map<(d0, d1) -> (0, 0)>
#map1 = affine_map<(d0, d1) -> (0)>
module attributes {stable_mosaic.version = 14 : i64} {
  func.func @_sc_agg_body(%arg0: i32, %arg1: i32, %arg2: memref<10000x128xf32, #tpu.memory_space<hbm>>, %arg3: memref<323584xi32, #tpu.memory_space<hbm>>, %arg4: memref<323584xi32, #tpu.memory_space<hbm>>, %arg5: memref<640x128xf32, #tpu.memory_space<hbm>>, %arg6: memref<640x16xf32, #tpu.memory_space<hbm>>, %arg7: memref<128x16xf32, #tpu.memory_space<hbm>>, %arg8: memref<20480x128xf32, #tpu.memory_space<hbm>>, %arg9: memref<20480x16xf32, #tpu.memory_space<hbm>>, %arg10: memref<128xi32, #tpu.memory_space<vmem>>, %arg11: memref<1x128xi32, #tpu.memory_space<vmem>>, %arg12: memref<128x128xf32, #tpu.memory_space<vmem>>, %arg13: memref<128x16xf32, #tpu.memory_space<vmem>>, %arg14: memref<10240x128xf32, #tpu.memory_space<vmem_shared>>, %arg15: memref<10240x16xf32, #tpu.memory_space<vmem_shared>>, %arg16: memref<!tpu.dma_semaphore, #tpu.memory_space<semaphore_mem>>) attributes {dimension_semantics = [#tpu.dimension_semantics<core_parallel>, #tpu.dimension_semantics<subcore_parallel>], iteration_bounds = array<i64: 2, 16>, scalar_prefetch = 0 : i64, scratch_operands = 7 : i64, tpu.core_type = #tpu.core_type<sc_vector_subcore>, window_params = [{transform_indices = #map}, {transform_indices = #map1}, {transform_indices = #map1}, {transform_indices = #map}, {transform_indices = #map}, {transform_indices = #map}, {transform_indices = #map}, {transform_indices = #map}]} {
    %mul3A = arith.constant 16 : i32
    %mul3A_0 = arith.muli %arg0, %mul3A : i32
    %add3A = arith.addi %mul3A_0, %arg1 : i32
    %mul3A_1 = arith.constant 640 : i32
    %mul3A_2 = arith.muli %arg1, %mul3A_1 : i32
    "tpu.region"() ({
      %run_scoped3A = tpu.sem_alloc : memref<!tpu.dma_semaphore, #tpu.memory_space<semaphore_mem>>
      %dma_start3A = arith.constant 0 : i32
      %dma_start3A_14 = tpu.memref_slice %arg14[%mul3A_2, %dma_start3A] : memref<10240x128xf32, #tpu.memory_space<vmem_shared>> -> memref<640x128xf32, #tpu.memory_space<vmem_shared>>
      tpu.enqueue_dma source(%arg5 : memref<640x128xf32, #tpu.memory_space<hbm>>) target(%dma_start3A_14 : memref<640x128xf32, #tpu.memory_space<vmem_shared>>) target_semaphore(%run_scoped3A : memref<!tpu.dma_semaphore, #tpu.memory_space<semaphore_mem>>)
      %dma_wait3A = arith.constant 0 : i32
      %dma_wait3A_15 = tpu.memref_slice %arg14[%mul3A_2, %dma_wait3A] : memref<10240x128xf32, #tpu.memory_space<vmem_shared>> -> memref<640x128xf32, #tpu.memory_space<vmem_shared>>
      tpu.wait_dma2 semaphore(%run_scoped3A : memref<!tpu.dma_semaphore, #tpu.memory_space<semaphore_mem>>) src(%arg5 : memref<640x128xf32, #tpu.memory_space<hbm>>) dst(%dma_wait3A_15 : memref<640x128xf32, #tpu.memory_space<vmem_shared>>)
      tpu.yield
    }) : () -> ()
    "tpu.region"() ({
      %run_scoped3A = tpu.sem_alloc : memref<!tpu.dma_semaphore, #tpu.memory_space<semaphore_mem>>
      %dma_start3A = arith.constant 0 : i32
      %dma_start3A_14 = tpu.memref_slice %arg15[%mul3A_2, %dma_start3A] : memref<10240x16xf32, #tpu.memory_space<vmem_shared>> -> memref<640x16xf32, #tpu.memory_space<vmem_shared>>
      tpu.enqueue_dma source(%arg6 : memref<640x16xf32, #tpu.memory_space<hbm>>) target(%dma_start3A_14 : memref<640x16xf32, #tpu.memory_space<vmem_shared>>) target_semaphore(%run_scoped3A : memref<!tpu.dma_semaphore, #tpu.memory_space<semaphore_mem>>)
      %dma_wait3A = arith.constant 0 : i32
      %dma_wait3A_15 = tpu.memref_slice %arg15[%mul3A_2, %dma_wait3A] : memref<10240x16xf32, #tpu.memory_space<vmem_shared>> -> memref<640x16xf32, #tpu.memory_space<vmem_shared>>
      tpu.wait_dma2 semaphore(%run_scoped3A : memref<!tpu.dma_semaphore, #tpu.memory_space<semaphore_mem>>) src(%arg6 : memref<640x16xf32, #tpu.memory_space<hbm>>) dst(%dma_wait3A_15 : memref<640x16xf32, #tpu.memory_space<vmem_shared>>)
      tpu.yield
    }) : () -> ()
    "tpu.region"() ({
      %run_scoped3A = tpu.sem_alloc : memref<!tpu.dma_semaphore, #tpu.memory_space<semaphore_mem>>
      tpu.enqueue_dma source(%arg7 : memref<128x16xf32, #tpu.memory_space<hbm>>) target(%arg13 : memref<128x16xf32, #tpu.memory_space<vmem>>) target_semaphore(%run_scoped3A : memref<!tpu.dma_semaphore, #tpu.memory_space<semaphore_mem>>)
      tpu.wait_dma2 semaphore(%run_scoped3A : memref<!tpu.dma_semaphore, #tpu.memory_space<semaphore_mem>>) src(%arg7 : memref<128x16xf32, #tpu.memory_space<hbm>>) dst(%arg13 : memref<128x16xf32, #tpu.memory_space<vmem>>)
      tpu.yield
    }) : () -> ()
    %barrier3A = arith.constant 0 : index
    tpu.barrier barrier_id(%barrier3A)
    %mul3A_3 = arith.constant 10112 : i32
    %mul3A_4 = arith.muli %add3A, %mul3A_3 : i32
    %scan3A = arith.constant 0 : i32
    %scan3A_5 = arith.constant 0 : i32
    %scan3A_6 = arith.constant 79 : i32
    %scan3A_7 = arith.addi %scan3A_5, %scan3A_6 : i32
    %scan3A_8 = arith.constant 1 : i32
    scf.for %scan3A_14 = %scan3A_5 to %scan3A_7 step %scan3A_8  : i32 {
      %mul3A_15 = arith.constant 128 : i32
      %mul3A_16 = arith.muli %scan3A_14, %mul3A_15 : i32
      %add3A_17 = arith.addi %mul3A_4, %mul3A_16 : i32
      "tpu.region"() ({
        %run_scoped3A_24 = tpu.sem_alloc : memref<!tpu.dma_semaphore, #tpu.memory_space<semaphore_mem>>
        %dma_start3A_25 = tpu.memref_slice %arg3[%add3A_17] : memref<323584xi32, #tpu.memory_space<hbm>> -> memref<128xi32, #tpu.memory_space<hbm>>
        %dma_start3A_26 = tpu.memref_slice %arg3[%add3A_17] : memref<323584xi32, #tpu.memory_space<hbm>> -> memref<128xi32, #tpu.memory_space<hbm>>
        tpu.enqueue_dma source(%dma_start3A_26 : memref<128xi32, #tpu.memory_space<hbm>>) target(%arg10 : memref<128xi32, #tpu.memory_space<vmem>>) target_semaphore(%run_scoped3A_24 : memref<!tpu.dma_semaphore, #tpu.memory_space<semaphore_mem>>)
        %dma_wait3A_27 = tpu.memref_slice %arg3[%add3A_17] : memref<323584xi32, #tpu.memory_space<hbm>> -> memref<128xi32, #tpu.memory_space<hbm>>
        %dma_wait3A_28 = tpu.memref_slice %arg3[%add3A_17] : memref<323584xi32, #tpu.memory_space<hbm>> -> memref<128xi32, #tpu.memory_space<hbm>>
        tpu.wait_dma2 semaphore(%run_scoped3A_24 : memref<!tpu.dma_semaphore, #tpu.memory_space<semaphore_mem>>) src(%dma_wait3A_28 : memref<128xi32, #tpu.memory_space<hbm>>) dst(%arg10 : memref<128xi32, #tpu.memory_space<vmem>>)
        tpu.yield
      }) : () -> ()
      %run_scoped3A = arith.constant 0 : i32
      "tpu.region"() ({
        %run_scoped3A_24 = tpu.sem_alloc : memref<!tpu.dma_semaphore, #tpu.memory_space<semaphore_mem>>
        %dma_start3A_25 = arith.constant 0 : i32
        %dma_start3A_26 = tpu.memref_slice %arg11[%run_scoped3A, %dma_start3A_25] : memref<1x128xi32, #tpu.memory_space<vmem>> -> memref<1x128xi32, #tpu.memory_space<vmem>>
        %dma_start3A_27 = tpu.memref_squeeze %dma_start3A_26 : memref<1x128xi32, #tpu.memory_space<vmem>> -> memref<128xi32, #tpu.memory_space<vmem>>
        %dma_start3A_28 = tpu.memref_slice %arg4[%add3A_17] : memref<323584xi32, #tpu.memory_space<hbm>> -> memref<128xi32, #tpu.memory_space<hbm>>
        %dma_start3A_29 = arith.constant 0 : i32
        %dma_start3A_30 = tpu.memref_slice %arg11[%run_scoped3A, %dma_start3A_29] : memref<1x128xi32, #tpu.memory_space<vmem>> -> memref<1x128xi32, #tpu.memory_space<vmem>>
        %dma_start3A_31 = tpu.memref_squeeze %dma_start3A_30 : memref<1x128xi32, #tpu.memory_space<vmem>> -> memref<128xi32, #tpu.memory_space<vmem>>
        %dma_start3A_32 = tpu.memref_slice %arg4[%add3A_17] : memref<323584xi32, #tpu.memory_space<hbm>> -> memref<128xi32, #tpu.memory_space<hbm>>
        tpu.enqueue_dma source(%dma_start3A_32 : memref<128xi32, #tpu.memory_space<hbm>>) target(%dma_start3A_31 : memref<128xi32, #tpu.memory_space<vmem>>) target_semaphore(%run_scoped3A_24 : memref<!tpu.dma_semaphore, #tpu.memory_space<semaphore_mem>>)
        %dma_wait3A_33 = arith.constant 0 : i32
        %dma_wait3A_34 = tpu.memref_slice %arg11[%run_scoped3A, %dma_wait3A_33] : memref<1x128xi32, #tpu.memory_space<vmem>> -> memref<1x128xi32, #tpu.memory_space<vmem>>
        %dma_wait3A_35 = tpu.memref_squeeze %dma_wait3A_34 : memref<1x128xi32, #tpu.memory_space<vmem>> -> memref<128xi32, #tpu.memory_space<vmem>>
        %dma_wait3A_36 = tpu.memref_slice %arg4[%add3A_17] : memref<323584xi32, #tpu.memory_space<hbm>> -> memref<128xi32, #tpu.memory_space<hbm>>
        %dma_wait3A_37 = arith.constant 0 : i32
        %dma_wait3A_38 = tpu.memref_slice %arg11[%run_scoped3A, %dma_wait3A_37] : memref<1x128xi32, #tpu.memory_space<vmem>> -> memref<1x128xi32, #tpu.memory_space<vmem>>
        %dma_wait3A_39 = tpu.memref_squeeze %dma_wait3A_38 : memref<1x128xi32, #tpu.memory_space<vmem>> -> memref<128xi32, #tpu.memory_space<vmem>>
        %dma_wait3A_40 = tpu.memref_slice %arg4[%add3A_17] : memref<323584xi32, #tpu.memory_space<hbm>> -> memref<128xi32, #tpu.memory_space<hbm>>
        tpu.wait_dma2 semaphore(%run_scoped3A_24 : memref<!tpu.dma_semaphore, #tpu.memory_space<semaphore_mem>>) src(%dma_wait3A_40 : memref<128xi32, #tpu.memory_space<hbm>>) dst(%dma_wait3A_39 : memref<128xi32, #tpu.memory_space<vmem>>)
        tpu.yield
      }) : () -> ()
      %dma_start3A = arith.constant 0 : i32
      %dma_start3A_18 = arith.constant 0 : i32
      %dma_start3A_19 = tpu.memref_slice %arg2[%dma_start3A, %dma_start3A_18] : memref<10000x128xf32, #tpu.memory_space<hbm>> -> memref<10000x128xf32, #tpu.memory_space<hbm>>
      tpu.enqueue_indirect_dma source(%dma_start3A_19 : memref<10000x128xf32, #tpu.memory_space<hbm>>) target(%arg12 : memref<128x128xf32, #tpu.memory_space<vmem>>) offsets(%arg10 : memref<128xi32, #tpu.memory_space<vmem>>) semaphore(%arg16 : memref<!tpu.dma_semaphore, #tpu.memory_space<semaphore_mem>>)
      %dma_wait3A = arith.constant 0 : i32
      %dma_wait3A_20 = arith.constant 0 : i32
      %dma_wait3A_21 = tpu.memref_slice %arg2[%dma_wait3A, %dma_wait3A_20] : memref<10000x128xf32, #tpu.memory_space<hbm>> -> memref<10000x128xf32, #tpu.memory_space<hbm>>
      tpu.wait_indirect_dma semaphore(%arg16 : memref<!tpu.dma_semaphore, #tpu.memory_space<semaphore_mem>>) src(%dma_wait3A_21 : memref<10000x128xf32, #tpu.memory_space<hbm>>) dst(%arg12 : memref<128x128xf32, #tpu.memory_space<vmem>>)
      %run_scoped3A_22 = arith.constant 0 : i32
      "tpu.region"() ({
        %run_scoped3A_24 = tpu.sem_alloc : memref<!tpu.dma_semaphore, #tpu.memory_space<semaphore_mem>>
        %dma_start3A_25 = arith.constant 0 : i32
        %dma_start3A_26 = tpu.memref_slice %arg11[%run_scoped3A_22, %dma_start3A_25] : memref<1x128xi32, #tpu.memory_space<vmem>> -> memref<1x128xi32, #tpu.memory_space<vmem>>
        %dma_start3A_27 = tpu.memref_squeeze %dma_start3A_26 : memref<1x128xi32, #tpu.memory_space<vmem>> -> memref<128xi32, #tpu.memory_space<vmem>>
        %dma_start3A_28 = arith.constant 0 : i32
        %dma_start3A_29 = arith.constant 0 : i32
        %dma_start3A_30 = tpu.memref_slice %arg14[%dma_start3A_28, %dma_start3A_29] : memref<10240x128xf32, #tpu.memory_space<vmem_shared>> -> memref<10240x128xf32, #tpu.memory_space<vmem_shared>>
        tpu.enqueue_indirect_dma source(%arg12 : memref<128x128xf32, #tpu.memory_space<vmem>>) target(%dma_start3A_30 : memref<10240x128xf32, #tpu.memory_space<vmem_shared>>) offsets(%dma_start3A_27 : memref<128xi32, #tpu.memory_space<vmem>>) semaphore(%run_scoped3A_24 : memref<!tpu.dma_semaphore, #tpu.memory_space<semaphore_mem>>) {add = true}
        %dma_wait3A_31 = arith.constant 0 : i32
        %dma_wait3A_32 = tpu.memref_slice %arg11[%run_scoped3A_22, %dma_wait3A_31] : memref<1x128xi32, #tpu.memory_space<vmem>> -> memref<1x128xi32, #tpu.memory_space<vmem>>
        %dma_wait3A_33 = tpu.memref_squeeze %dma_wait3A_32 : memref<1x128xi32, #tpu.memory_space<vmem>> -> memref<128xi32, #tpu.memory_space<vmem>>
        %dma_wait3A_34 = arith.constant 0 : i32
        %dma_wait3A_35 = arith.constant 0 : i32
        %dma_wait3A_36 = tpu.memref_slice %arg14[%dma_wait3A_34, %dma_wait3A_35] : memref<10240x128xf32, #tpu.memory_space<vmem_shared>> -> memref<10240x128xf32, #tpu.memory_space<vmem_shared>>
        tpu.wait_indirect_dma semaphore(%run_scoped3A_24 : memref<!tpu.dma_semaphore, #tpu.memory_space<semaphore_mem>>) src(%arg12 : memref<128x128xf32, #tpu.memory_space<vmem>>) dst(%dma_wait3A_36 : memref<10240x128xf32, #tpu.memory_space<vmem_shared>>)
        tpu.yield
      }) : () -> ()
      %run_scoped3A_23 = arith.constant 0 : i32
      "tpu.region"() ({
        %run_scoped3A_24 = tpu.sem_alloc : memref<!tpu.dma_semaphore, #tpu.memory_space<semaphore_mem>>
        %dma_start3A_25 = arith.constant 0 : i32
        %dma_start3A_26 = tpu.memref_slice %arg11[%run_scoped3A_23, %dma_start3A_25] : memref<1x128xi32, #tpu.memory_space<vmem>> -> memref<1x128xi32, #tpu.memory_space<vmem>>
        %dma_start3A_27 = tpu.memref_squeeze %dma_start3A_26 : memref<1x128xi32, #tpu.memory_space<vmem>> -> memref<128xi32, #tpu.memory_space<vmem>>
        %dma_start3A_28 = arith.constant 0 : i32
        %dma_start3A_29 = arith.constant 0 : i32
        %dma_start3A_30 = tpu.memref_slice %arg15[%dma_start3A_28, %dma_start3A_29] : memref<10240x16xf32, #tpu.memory_space<vmem_shared>> -> memref<10240x16xf32, #tpu.memory_space<vmem_shared>>
        tpu.enqueue_indirect_dma source(%arg13 : memref<128x16xf32, #tpu.memory_space<vmem>>) target(%dma_start3A_30 : memref<10240x16xf32, #tpu.memory_space<vmem_shared>>) offsets(%dma_start3A_27 : memref<128xi32, #tpu.memory_space<vmem>>) semaphore(%run_scoped3A_24 : memref<!tpu.dma_semaphore, #tpu.memory_space<semaphore_mem>>) {add = true}
        %dma_wait3A_31 = arith.constant 0 : i32
        %dma_wait3A_32 = tpu.memref_slice %arg11[%run_scoped3A_23, %dma_wait3A_31] : memref<1x128xi32, #tpu.memory_space<vmem>> -> memref<1x128xi32, #tpu.memory_space<vmem>>
        %dma_wait3A_33 = tpu.memref_squeeze %dma_wait3A_32 : memref<1x128xi32, #tpu.memory_space<vmem>> -> memref<128xi32, #tpu.memory_space<vmem>>
        %dma_wait3A_34 = arith.constant 0 : i32
        %dma_wait3A_35 = arith.constant 0 : i32
        %dma_wait3A_36 = tpu.memref_slice %arg15[%dma_wait3A_34, %dma_wait3A_35] : memref<10240x16xf32, #tpu.memory_space<vmem_shared>> -> memref<10240x16xf32, #tpu.memory_space<vmem_shared>>
        tpu.wait_indirect_dma semaphore(%run_scoped3A_24 : memref<!tpu.dma_semaphore, #tpu.memory_space<semaphore_mem>>) src(%arg13 : memref<128x16xf32, #tpu.memory_space<vmem>>) dst(%dma_wait3A_36 : memref<10240x16xf32, #tpu.memory_space<vmem_shared>>)
        tpu.yield
      }) : () -> ()
    }
    %scan3A_9 = arith.constant 79 : i32
    %barrier3A_10 = arith.constant 0 : index
    tpu.barrier barrier_id(%barrier3A_10)
    %mul3A_11 = arith.constant 10240 : i32
    %mul3A_12 = arith.muli %arg0, %mul3A_11 : i32
    %add3A_13 = arith.addi %mul3A_12, %mul3A_2 : i32
    "tpu.region"() ({
      %run_scoped3A = tpu.sem_alloc : memref<!tpu.dma_semaphore, #tpu.memory_space<semaphore_mem>>
      %dma_start3A = arith.constant 0 : i32
      %dma_start3A_14 = tpu.memref_slice %arg8[%add3A_13, %dma_start3A] : memref<20480x128xf32, #tpu.memory_space<hbm>> -> memref<640x128xf32, #tpu.memory_space<hbm>>
      %dma_start3A_15 = arith.constant 0 : i32
      %dma_start3A_16 = tpu.memref_slice %arg14[%mul3A_2, %dma_start3A_15] : memref<10240x128xf32, #tpu.memory_space<vmem_shared>> -> memref<640x128xf32, #tpu.memory_space<vmem_shared>>
      tpu.enqueue_dma source(%dma_start3A_16 : memref<640x128xf32, #tpu.memory_space<vmem_shared>>) target(%dma_start3A_14 : memref<640x128xf32, #tpu.memory_space<hbm>>) target_semaphore(%run_scoped3A : memref<!tpu.dma_semaphore, #tpu.memory_space<semaphore_mem>>)
      %dma_wait3A = arith.constant 0 : i32
      %dma_wait3A_17 = tpu.memref_slice %arg8[%add3A_13, %dma_wait3A] : memref<20480x128xf32, #tpu.memory_space<hbm>> -> memref<640x128xf32, #tpu.memory_space<hbm>>
      %dma_wait3A_18 = arith.constant 0 : i32
      %dma_wait3A_19 = tpu.memref_slice %arg14[%mul3A_2, %dma_wait3A_18] : memref<10240x128xf32, #tpu.memory_space<vmem_shared>> -> memref<640x128xf32, #tpu.memory_space<vmem_shared>>
      tpu.wait_dma2 semaphore(%run_scoped3A : memref<!tpu.dma_semaphore, #tpu.memory_space<semaphore_mem>>) src(%dma_wait3A_19 : memref<640x128xf32, #tpu.memory_space<vmem_shared>>) dst(%dma_wait3A_17 : memref<640x128xf32, #tpu.memory_space<hbm>>)
      tpu.yield
    }) : () -> ()
    "tpu.region"() ({
      %run_scoped3A = tpu.sem_alloc : memref<!tpu.dma_semaphore, #tpu.memory_space<semaphore_mem>>
      %dma_start3A = arith.constant 0 : i32
      %dma_start3A_14 = tpu.memref_slice %arg9[%add3A_13, %dma_start3A] : memref<20480x16xf32, #tpu.memory_space<hbm>> -> memref<640x16xf32, #tpu.memory_space<hbm>>
      %dma_start3A_15 = arith.constant 0 : i32
      %dma_start3A_16 = tpu.memref_slice %arg15[%mul3A_2, %dma_start3A_15] : memref<10240x16xf32, #tpu.memory_space<vmem_shared>> -> memref<640x16xf32, #tpu.memory_space<vmem_shared>>
      tpu.enqueue_dma source(%dma_start3A_16 : memref<640x16xf32, #tpu.memory_space<vmem_shared>>) target(%dma_start3A_14 : memref<640x16xf32, #tpu.memory_space<hbm>>) target_semaphore(%run_scoped3A : memref<!tpu.dma_semaphore, #tpu.memory_space<semaphore_mem>>)
      %dma_wait3A = arith.constant 0 : i32
      %dma_wait3A_17 = tpu.memref_slice %arg9[%add3A_13, %dma_wait3A] : memref<20480x16xf32, #tpu.memory_space<hbm>> -> memref<640x16xf32, #tpu.memory_space<hbm>>
      %dma_wait3A_18 = arith.constant 0 : i32
      %dma_wait3A_19 = tpu.memref_slice %arg15[%mul3A_2, %dma_wait3A_18] : memref<10240x16xf32, #tpu.memory_space<vmem_shared>> -> memref<640x16xf32, #tpu.memory_space<vmem_shared>>
      tpu.wait_dma2 semaphore(%run_scoped3A : memref<!tpu.dma_semaphore, #tpu.memory_space<semaphore_mem>>) src(%dma_wait3A_19 : memref<640x16xf32, #tpu.memory_space<vmem_shared>>) dst(%dma_wait3A_17 : memref<640x16xf32, #tpu.memory_space<hbm>>)
      tpu.yield
    }) : () -> ()
    return
  }
}

module attributes {stable_mosaic.version = 14 : i64} {
  func.func @_pre_body(%arg0: i32, %arg1: memref<2000x128xf32, #tpu.memory_space<vmem>>, %arg2: memref<128x128xf32, #tpu.memory_space<vmem>>, %arg3: memref<1x128xf32, #tpu.memory_space<vmem>>, %arg4: memref<2000x128xf32, #tpu.memory_space<vmem>>) attributes {dimension_semantics = [#tpu.dimension_semantics<arbitrary>], iteration_bounds = array<i64: 5>, scalar_prefetch = 0 : i64, scratch_operands = 0 : i64, tpu.core_type = #tpu.core_type<tc>, window_params = [{transform_indices = @transform_0, window_bounds = array<i64: 2000, 128>}, {pipeline_mode = #tpu.pipeline_mode<synchronous>, transform_indices = @transform_1, window_bounds = array<i64: 128, 128>}, {pipeline_mode = #tpu.pipeline_mode<synchronous>, transform_indices = @transform_2, window_bounds = array<i64: 1, 128>}, {transform_indices = @transform_3, window_bounds = array<i64: 2000, 128>}]} {
    %get3A = arith.constant 0 : index
    %get3A_0 = arith.constant 0 : index
    %get3A_1 = vector.load %arg1[%get3A, %get3A_0] : memref<2000x128xf32, #tpu.memory_space<vmem>>, vector<2000x128xf32>
    %mul3A = arith.mulf %get3A_1, %get3A_1 : vector<2000x128xf32>
    %reduce_sum3A = arith.constant dense<0.000000e+00> : vector<2000xf32>
    %reduce_sum3A_2 = vector.multi_reduction <add>, %mul3A, %reduce_sum3A [1] : vector<2000x128xf32> to vector<2000xf32>
    %broadcast_in_dim3A = vector.shape_cast %reduce_sum3A_2 : vector<2000xf32> to vector<2000x1xf32>
    %add3A = arith.constant 1.000000e-15 : f32
    %add3A_3 = vector.broadcast %add3A : f32 to vector<2000x1xf32>
    %add3A_4 = arith.addf %broadcast_in_dim3A, %add3A_3 : vector<2000x1xf32>
    %sqrt3A = math.sqrt %add3A_4 : vector<2000x1xf32>
    %gt3A = arith.constant 0.999989986 : f32
    %gt3A_5 = vector.broadcast %gt3A : f32 to vector<2000x1xf32>
    %gt3A_6 = arith.cmpf ogt, %sqrt3A, %gt3A_5 : vector<2000x1xf32>
    %div3A = arith.constant 0.999989986 : f32
    %div3A_7 = vector.broadcast %div3A : f32 to vector<2000x1xf32>
    %div3A_8 = arith.divf %div3A_7, %sqrt3A : vector<2000x1xf32>
    %broadcast_in_dim3A_9 = arith.constant 1.000000e+00 : f32
    %broadcast_in_dim3A_10 = vector.broadcast %broadcast_in_dim3A_9 : f32 to vector<2000x1xf32>
    %select_n3A = arith.select %gt3A_6, %div3A_8, %broadcast_in_dim3A_10 : vector<2000x1xi1>, vector<2000x1xf32>
    %mul3A_11 = vector.broadcast %select_n3A : vector<2000x1xf32> to vector<2000x128xf32>
    %mul3A_12 = arith.mulf %get3A_1, %mul3A_11 : vector<2000x128xf32>
    %get3A_13 = arith.constant 0 : index
    %get3A_14 = arith.constant 0 : index
    %get3A_15 = vector.load %arg2[%get3A_13, %get3A_14] : memref<128x128xf32, #tpu.memory_space<vmem>>, vector<128x128xf32>
    %dot_general3A = arith.constant dense<0.000000e+00> : vector<2000x128xf32>
    %dot_general3A_16 = tpu.matmul %mul3A_12, %get3A_15, %dot_general3A {dimension_numbers = #tpu.dot_dimension_numbers<[1], [0], [0], [1], [0, 0, 1, 1], [], []>, precision = #tpu.contract_precision<fp32>, transpose_lhs_hint = false} : vector<2000x128xf32>, vector<128x128xf32>, vector<2000x128xf32> -> vector<2000x128xf32>
    %get3A_17 = arith.constant 0 : index
    %get3A_18 = arith.constant 0 : index
    %get3A_19 = vector.load %arg3[%get3A_17, %get3A_18] : memref<1x128xf32, #tpu.memory_space<vmem>>, vector<1x128xf32>
    %add3A_20 = vector.broadcast %get3A_19 : vector<1x128xf32> to vector<2000x128xf32>
    %add3A_21 = arith.addf %dot_general3A_16, %add3A_20 : vector<2000x128xf32>
    %swap3A = arith.constant 0 : index
    %swap3A_22 = arith.constant 0 : index
    %swap3A_23 = vector.load %arg4[%swap3A, %swap3A_22] : memref<2000x128xf32, #tpu.memory_space<vmem>>, vector<2000x128xf32>
    tpu.vector_store %arg4[%swap3A, %swap3A_22], %add3A_21 {strides = array<i32>} : memref<2000x128xf32, #tpu.memory_space<vmem>>, vector<2000x128xf32>,
    return
  }
  func.func @transform_0(%arg0: i32) -> (i32, i32) {
    %c0_i32 = arith.constant 0 : i32
    %c0_i32_0 = arith.constant 0 : i32
    return %arg0, %c0_i32 : i32, i32
  }
  func.func @transform_1(%arg0: i32) -> (i32, i32) {
    %c0_i32 = arith.constant 0 : i32
    %c0_i32_0 = arith.constant 0 : i32
    %c0_i32_1 = arith.constant 0 : i32
    return %c0_i32, %c0_i32_0 : i32, i32
  }
  func.func @transform_2(%arg0: i32) -> (i32, i32) {
    %c0_i32 = arith.constant 0 : i32
    %c0_i32_0 = arith.constant 0 : i32
    %c0_i32_1 = arith.constant 0 : i32
    return %c0_i32, %c0_i32_0 : i32, i32
  }
  func.func @transform_3(%arg0: i32) -> (i32, i32) {
    %c0_i32 = arith.constant 0 : i32
    %c0_i32_0 = arith.constant 0 : i32
    return %arg0, %c0_i32 : i32, i32
  }
}

module attributes {stable_mosaic.version = 14 : i64} {
  func.func @_post_body(%arg0: i32, %arg1: memref<2000x128xf32, #tpu.memory_space<vmem>>, %arg2: memref<2x2000x128xf32, #tpu.memory_space<vmem>>, %arg3: memref<2x2000x16xf32, #tpu.memory_space<vmem>>, %arg4: memref<2000x128xf32, #tpu.memory_space<vmem>>) attributes {dimension_semantics = [#tpu.dimension_semantics<arbitrary>], iteration_bounds = array<i64: 5>, scalar_prefetch = 0 : i64, scratch_operands = 0 : i64, tpu.core_type = #tpu.core_type<tc>, window_params = [{transform_indices = @transform_0, window_bounds = array<i64: 2000, 128>}, {transform_indices = @transform_1, window_bounds = array<i64: 2, 2000, 128>}, {transform_indices = @transform_2, window_bounds = array<i64: 2, 2000, 16>}, {transform_indices = @transform_3, window_bounds = array<i64: 2000, 128>}]} {
    %get3A = arith.constant 0 : index
    %get3A_0 = arith.constant 0 : index
    %get3A_1 = vector.load %arg1[%get3A, %get3A_0] : memref<2000x128xf32, #tpu.memory_space<vmem>>, vector<2000x128xf32>
    %get3A_2 = arith.constant 0 : index
    %get3A_3 = arith.constant 0 : index
    %get3A_4 = arith.constant 0 : index
    %get3A_5 = vector.load %arg2[%get3A_2, %get3A_3, %get3A_4] : memref<2x2000x128xf32, #tpu.memory_space<vmem>>, vector<1x2000x128xf32>
    %get3A_6 = vector.shape_cast %get3A_5 : vector<1x2000x128xf32> to vector<2000x128xf32>
    %get3A_7 = arith.constant 1 : index
    %get3A_8 = arith.constant 0 : index
    %get3A_9 = arith.constant 0 : index
    %get3A_10 = vector.load %arg2[%get3A_7, %get3A_8, %get3A_9] : memref<2x2000x128xf32, #tpu.memory_space<vmem>>, vector<1x2000x128xf32>
    %get3A_11 = vector.shape_cast %get3A_10 : vector<1x2000x128xf32> to vector<2000x128xf32>
    %add3A = arith.addf %get3A_6, %get3A_11 : vector<2000x128xf32>
    %get3A_12 = arith.constant 0 : index
    %get3A_13 = arith.constant 0 : index
    %get3A_14 = arith.constant 0 : index
    %get3A_15 = vector.load %arg3[%get3A_12, %get3A_13, %get3A_14] : memref<2x2000x16xf32, #tpu.memory_space<vmem>>, vector<1x2000x16xf32>
    %get3A_16 = vector.shape_cast %get3A_15 : vector<1x2000x16xf32> to vector<2000x16xf32>
    %slice3A = vector.extract_strided_slice %get3A_16 {offsets = [0, 0], sizes = [2000, 1], strides = [1, 1]} : vector<2000x16xf32> to vector<2000x1xf32>
    %get3A_17 = arith.constant 1 : index
    %get3A_18 = arith.constant 0 : index
    %get3A_19 = arith.constant 0 : index
    %get3A_20 = vector.load %arg3[%get3A_17, %get3A_18, %get3A_19] : memref<2x2000x16xf32, #tpu.memory_space<vmem>>, vector<1x2000x16xf32>
    %get3A_21 = vector.shape_cast %get3A_20 : vector<1x2000x16xf32> to vector<2000x16xf32>
    %slice3A_22 = vector.extract_strided_slice %get3A_21 {offsets = [0, 0], sizes = [2000, 1], strides = [1, 1]} : vector<2000x16xf32> to vector<2000x1xf32>
    %add3A_23 = arith.addf %slice3A, %slice3A_22 : vector<2000x1xf32>
    %max3A = arith.constant 1.000000e+00 : f32
    %max3A_24 = vector.broadcast %max3A : f32 to vector<2000x1xf32>
    %max3A_25 = arith.maximumf %add3A_23, %max3A_24 : vector<2000x1xf32>
    %div3A = vector.broadcast %max3A_25 : vector<2000x1xf32> to vector<2000x128xf32>
    %div3A_26 = arith.divf %add3A, %div3A : vector<2000x128xf32>
    %add3A_27 = arith.addf %get3A_1, %div3A_26 : vector<2000x128xf32>
    %mul3A = arith.constant 5.000000e-01 : f32
    %mul3A_28 = vector.broadcast %mul3A : f32 to vector<2000x128xf32>
    %mul3A_29 = arith.mulf %mul3A_28, %add3A_27 : vector<2000x128xf32>
    %mul3A_30 = arith.mulf %mul3A_29, %mul3A_29 : vector<2000x128xf32>
    %reduce_sum3A = arith.constant dense<0.000000e+00> : vector<2000xf32>
    %reduce_sum3A_31 = vector.multi_reduction <add>, %mul3A_30, %reduce_sum3A [1] : vector<2000x128xf32> to vector<2000xf32>
    %broadcast_in_dim3A = vector.shape_cast %reduce_sum3A_31 : vector<2000xf32> to vector<2000x1xf32>
    %add3A_32 = arith.constant 1.000000e-15 : f32
    %add3A_33 = vector.broadcast %add3A_32 : f32 to vector<2000x1xf32>
    %add3A_34 = arith.addf %broadcast_in_dim3A, %add3A_33 : vector<2000x1xf32>
    %sqrt3A = math.sqrt %add3A_34 : vector<2000x1xf32>
    %gt3A = arith.constant 0.999989986 : f32
    %gt3A_35 = vector.broadcast %gt3A : f32 to vector<2000x1xf32>
    %gt3A_36 = arith.cmpf ogt, %sqrt3A, %gt3A_35 : vector<2000x1xf32>
    %div3A_37 = arith.constant 0.999989986 : f32
    %div3A_38 = vector.broadcast %div3A_37 : f32 to vector<2000x1xf32>
    %div3A_39 = arith.divf %div3A_38, %sqrt3A : vector<2000x1xf32>
    %broadcast_in_dim3A_40 = arith.constant 1.000000e+00 : f32
    %broadcast_in_dim3A_41 = vector.broadcast %broadcast_in_dim3A_40 : f32 to vector<2000x1xf32>
    %select_n3A = arith.select %gt3A_36, %div3A_39, %broadcast_in_dim3A_41 : vector<2000x1xi1>, vector<2000x1xf32>
    %mul3A_42 = vector.broadcast %select_n3A : vector<2000x1xf32> to vector<2000x128xf32>
    %mul3A_43 = arith.mulf %mul3A_29, %mul3A_42 : vector<2000x128xf32>
    %mul3A_44 = arith.mulf %mul3A_43, %mul3A_43 : vector<2000x128xf32>
    %reduce_sum3A_45 = arith.constant dense<0.000000e+00> : vector<2000xf32>
    %reduce_sum3A_46 = vector.multi_reduction <add>, %mul3A_44, %reduce_sum3A_45 [1] : vector<2000x128xf32> to vector<2000xf32>
    %broadcast_in_dim3A_47 = vector.shape_cast %reduce_sum3A_46 : vector<2000xf32> to vector<2000x1xf32>
    %sub3A = arith.constant 1.000000e+00 : f32
    %sub3A_48 = vector.broadcast %sub3A : f32 to vector<2000x1xf32>
    %sub3A_49 = arith.subf %sub3A_48, %broadcast_in_dim3A_47 : vector<2000x1xf32>
    %jit3A = arith.constant 1.000000e-07 : f32
    %max3A_50 = vector.broadcast %jit3A : f32 to vector<2000x1xf32>
    %max3A_51 = arith.maximumf %max3A_50, %sub3A_49 : vector<2000x1xf32>
    %mul3A_52 = arith.constant 2.000000e+00 : f32
    %mul3A_53 = vector.broadcast %mul3A_52 : f32 to vector<2000x1xf32>
    %mul3A_54 = arith.mulf %mul3A_53, %broadcast_in_dim3A_47 : vector<2000x1xf32>
    %div3A_55 = arith.divf %mul3A_54, %max3A_51 : vector<2000x1xf32>
    %add3A_56 = arith.constant 1.000000e+00 : f32
    %add3A_57 = vector.broadcast %add3A_56 : f32 to vector<2000x1xf32>
    %add3A_58 = arith.addf %add3A_57, %div3A_55 : vector<2000x1xf32>
    %jit3A_59 = arith.constant 1.00000012 : f32
    %max3A_60 = vector.broadcast %jit3A_59 : f32 to vector<2000x1xf32>
    %max3A_61 = arith.maximumf %max3A_60, %add3A_58 : vector<2000x1xf32>
    %mul3A_62 = arith.mulf %max3A_61, %max3A_61 : vector<2000x1xf32>
    %sub3A_63 = arith.constant 1.000000e+00 : f32
    %sub3A_64 = vector.broadcast %sub3A_63 : f32 to vector<2000x1xf32>
    %sub3A_65 = arith.subf %mul3A_62, %sub3A_64 : vector<2000x1xf32>
    %sqrt3A_66 = math.sqrt %sub3A_65 : vector<2000x1xf32>
    %add3A_67 = arith.addf %max3A_61, %sqrt3A_66 : vector<2000x1xf32>
    %log3A = math.log %add3A_67 : vector<2000x1xf32>
    %neg3A = arith.constant 0.000000e+00 : f32
    %neg3A_68 = vector.broadcast %neg3A : f32 to vector<2000x1xf32>
    %neg3A_69 = arith.subf %neg3A_68, %log3A : vector<2000x1xf32>
    %exp3A = math.exp %neg3A_69 : vector<2000x1xf32>
    %add3A_70 = arith.constant 1.000000e+00 : f32
    %add3A_71 = vector.broadcast %add3A_70 : f32 to vector<2000x1xf32>
    %add3A_72 = arith.addf %add3A_71, %exp3A : vector<2000x1xf32>
    %div3A_73 = arith.constant 1.000000e+00 : f32
    %div3A_74 = vector.broadcast %div3A_73 : f32 to vector<2000x1xf32>
    %div3A_75 = arith.divf %div3A_74, %add3A_72 : vector<2000x1xf32>
    %mul3A_76 = vector.broadcast %div3A_75 : vector<2000x1xf32> to vector<2000x128xf32>
    %mul3A_77 = arith.mulf %mul3A_43, %mul3A_76 : vector<2000x128xf32>
    %mul3A_78 = arith.mulf %mul3A_77, %mul3A_77 : vector<2000x128xf32>
    %reduce_sum3A_79 = arith.constant dense<0.000000e+00> : vector<2000xf32>
    %reduce_sum3A_80 = vector.multi_reduction <add>, %mul3A_78, %reduce_sum3A_79 [1] : vector<2000x128xf32> to vector<2000xf32>
    %broadcast_in_dim3A_81 = vector.shape_cast %reduce_sum3A_80 : vector<2000xf32> to vector<2000x1xf32>
    %add3A_82 = arith.constant 1.000000e-15 : f32
    %add3A_83 = vector.broadcast %add3A_82 : f32 to vector<2000x1xf32>
    %add3A_84 = arith.addf %broadcast_in_dim3A_81, %add3A_83 : vector<2000x1xf32>
    %sqrt3A_85 = math.sqrt %add3A_84 : vector<2000x1xf32>
    %gt3A_86 = arith.constant 0.999989986 : f32
    %gt3A_87 = vector.broadcast %gt3A_86 : f32 to vector<2000x1xf32>
    %gt3A_88 = arith.cmpf ogt, %sqrt3A_85, %gt3A_87 : vector<2000x1xf32>
    %div3A_89 = arith.constant 0.999989986 : f32
    %div3A_90 = vector.broadcast %div3A_89 : f32 to vector<2000x1xf32>
    %div3A_91 = arith.divf %div3A_90, %sqrt3A_85 : vector<2000x1xf32>
    %broadcast_in_dim3A_92 = arith.constant 1.000000e+00 : f32
    %broadcast_in_dim3A_93 = vector.broadcast %broadcast_in_dim3A_92 : f32 to vector<2000x1xf32>
    %select_n3A_94 = arith.select %gt3A_88, %div3A_91, %broadcast_in_dim3A_93 : vector<2000x1xi1>, vector<2000x1xf32>
    %mul3A_95 = vector.broadcast %select_n3A_94 : vector<2000x1xf32> to vector<2000x128xf32>
    %mul3A_96 = arith.mulf %mul3A_77, %mul3A_95 : vector<2000x128xf32>
    %swap3A = arith.constant 0 : index
    %swap3A_97 = arith.constant 0 : index
    %swap3A_98 = vector.load %arg4[%swap3A, %swap3A_97] : memref<2000x128xf32, #tpu.memory_space<vmem>>, vector<2000x128xf32>
    tpu.vector_store %arg4[%swap3A, %swap3A_97], %mul3A_96 {strides = array<i32>} : memref<2000x128xf32, #tpu.memory_space<vmem>>, vector<2000x128xf32>,
    return
  }
  func.func @transform_0(%arg0: i32) -> (i32, i32) {
    %c0_i32 = arith.constant 0 : i32
    %c0_i32_0 = arith.constant 0 : i32
    return %arg0, %c0_i32 : i32, i32
  }
  func.func @transform_1(%arg0: i32) -> (i32, i32, i32) {
    %c0_i32 = arith.constant 0 : i32
    %c0_i32_0 = arith.constant 0 : i32
    %c0_i32_1 = arith.constant 0 : i32
    return %c0_i32, %arg0, %c0_i32_0 : i32, i32, i32
  }
  func.func @transform_2(%arg0: i32) -> (i32, i32, i32) {
    %c0_i32 = arith.constant 0 : i32
    %c0_i32_0 = arith.constant 0 : i32
    %c0_i32_1 = arith.constant 0 : i32
    return %c0_i32, %arg0, %c0_i32_0 : i32, i32, i32
  }
  func.func @transform_3(%arg0: i32) -> (i32, i32) {
    %c0_i32 = arith.constant 0 : i32
    %c0_i32_0 = arith.constant 0 : i32
    return %arg0, %c0_i32 : i32, i32
  }
}

module attributes {stable_mosaic.version = 14 : i64} {
  func.func @_pre_body(%arg0: i32, %arg1: memref<2000x128xf32, #tpu.memory_space<vmem>>, %arg2: memref<128x128xf32, #tpu.memory_space<vmem>>, %arg3: memref<1x128xf32, #tpu.memory_space<vmem>>, %arg4: memref<2000x128xf32, #tpu.memory_space<vmem>>) attributes {dimension_semantics = [#tpu.dimension_semantics<arbitrary>], iteration_bounds = array<i64: 5>, scalar_prefetch = 0 : i64, scratch_operands = 0 : i64, tpu.core_type = #tpu.core_type<tc>, window_params = [{transform_indices = @transform_0, window_bounds = array<i64: 2000, 128>}, {pipeline_mode = #tpu.pipeline_mode<synchronous>, transform_indices = @transform_1, window_bounds = array<i64: 128, 128>}, {pipeline_mode = #tpu.pipeline_mode<synchronous>, transform_indices = @transform_2, window_bounds = array<i64: 1, 128>}, {transform_indices = @transform_3, window_bounds = array<i64: 2000, 128>}]} {
    %get3A = arith.constant 0 : index
    %get3A_0 = arith.constant 0 : index
    %get3A_1 = vector.load %arg1[%get3A, %get3A_0] : memref<2000x128xf32, #tpu.memory_space<vmem>>, vector<2000x128xf32>
    %get3A_2 = arith.constant 0 : index
    %get3A_3 = arith.constant 0 : index
    %get3A_4 = vector.load %arg2[%get3A_2, %get3A_3] : memref<128x128xf32, #tpu.memory_space<vmem>>, vector<128x128xf32>
    %dot_general3A = arith.constant dense<0.000000e+00> : vector<2000x128xf32>
    %dot_general3A_5 = tpu.matmul %get3A_1, %get3A_4, %dot_general3A {dimension_numbers = #tpu.dot_dimension_numbers<[1], [0], [0], [1], [0, 0, 1, 1], [], []>, precision = #tpu.contract_precision<fp32>, transpose_lhs_hint = false} : vector<2000x128xf32>, vector<128x128xf32>, vector<2000x128xf32> -> vector<2000x128xf32>
    %get3A_6 = arith.constant 0 : index
    %get3A_7 = arith.constant 0 : index
    %get3A_8 = vector.load %arg3[%get3A_6, %get3A_7] : memref<1x128xf32, #tpu.memory_space<vmem>>, vector<1x128xf32>
    %add3A = vector.broadcast %get3A_8 : vector<1x128xf32> to vector<2000x128xf32>
    %add3A_9 = arith.addf %dot_general3A_5, %add3A : vector<2000x128xf32>
    %swap3A = arith.constant 0 : index
    %swap3A_10 = arith.constant 0 : index
    %swap3A_11 = vector.load %arg4[%swap3A, %swap3A_10] : memref<2000x128xf32, #tpu.memory_space<vmem>>, vector<2000x128xf32>
    tpu.vector_store %arg4[%swap3A, %swap3A_10], %add3A_9 {strides = array<i32>} : memref<2000x128xf32, #tpu.memory_space<vmem>>, vector<2000x128xf32>,
    return
  }
  func.func @transform_0(%arg0: i32) -> (i32, i32) {
    %c0_i32 = arith.constant 0 : i32
    %c0_i32_0 = arith.constant 0 : i32
    return %arg0, %c0_i32 : i32, i32
  }
  func.func @transform_1(%arg0: i32) -> (i32, i32) {
    %c0_i32 = arith.constant 0 : i32
    %c0_i32_0 = arith.constant 0 : i32
    %c0_i32_1 = arith.constant 0 : i32
    return %c0_i32, %c0_i32_0 : i32, i32
  }
  func.func @transform_2(%arg0: i32) -> (i32, i32) {
    %c0_i32 = arith.constant 0 : i32
    %c0_i32_0 = arith.constant 0 : i32
    %c0_i32_1 = arith.constant 0 : i32
    return %c0_i32, %c0_i32_0 : i32, i32
  }
  func.func @transform_3(%arg0: i32) -> (i32, i32) {
    %c0_i32 = arith.constant 0 : i32
    %c0_i32_0 = arith.constant 0 : i32
    return %arg0, %c0_i32 : i32, i32
  }
}

module attributes {stable_mosaic.version = 14 : i64} {
  func.func @_post_body(%arg0: i32, %arg1: memref<2000x128xf32, #tpu.memory_space<vmem>>, %arg2: memref<2x2000x128xf32, #tpu.memory_space<vmem>>, %arg3: memref<2x2000x16xf32, #tpu.memory_space<vmem>>, %arg4: memref<2000x128xf32, #tpu.memory_space<vmem>>) attributes {dimension_semantics = [#tpu.dimension_semantics<arbitrary>], iteration_bounds = array<i64: 5>, scalar_prefetch = 0 : i64, scratch_operands = 0 : i64, tpu.core_type = #tpu.core_type<tc>, window_params = [{transform_indices = @transform_0, window_bounds = array<i64: 2000, 128>}, {transform_indices = @transform_1, window_bounds = array<i64: 2, 2000, 128>}, {transform_indices = @transform_2, window_bounds = array<i64: 2, 2000, 16>}, {transform_indices = @transform_3, window_bounds = array<i64: 2000, 128>}]} {
    %get3A = arith.constant 0 : index
    %get3A_0 = arith.constant 0 : index
    %get3A_1 = vector.load %arg1[%get3A, %get3A_0] : memref<2000x128xf32, #tpu.memory_space<vmem>>, vector<2000x128xf32>
    %get3A_2 = arith.constant 0 : index
    %get3A_3 = arith.constant 0 : index
    %get3A_4 = arith.constant 0 : index
    %get3A_5 = vector.load %arg2[%get3A_2, %get3A_3, %get3A_4] : memref<2x2000x128xf32, #tpu.memory_space<vmem>>, vector<1x2000x128xf32>
    %get3A_6 = vector.shape_cast %get3A_5 : vector<1x2000x128xf32> to vector<2000x128xf32>
    %get3A_7 = arith.constant 1 : index
    %get3A_8 = arith.constant 0 : index
    %get3A_9 = arith.constant 0 : index
    %get3A_10 = vector.load %arg2[%get3A_7, %get3A_8, %get3A_9] : memref<2x2000x128xf32, #tpu.memory_space<vmem>>, vector<1x2000x128xf32>
    %get3A_11 = vector.shape_cast %get3A_10 : vector<1x2000x128xf32> to vector<2000x128xf32>
    %add3A = arith.addf %get3A_6, %get3A_11 : vector<2000x128xf32>
    %get3A_12 = arith.constant 0 : index
    %get3A_13 = arith.constant 0 : index
    %get3A_14 = arith.constant 0 : index
    %get3A_15 = vector.load %arg3[%get3A_12, %get3A_13, %get3A_14] : memref<2x2000x16xf32, #tpu.memory_space<vmem>>, vector<1x2000x16xf32>
    %get3A_16 = vector.shape_cast %get3A_15 : vector<1x2000x16xf32> to vector<2000x16xf32>
    %slice3A = vector.extract_strided_slice %get3A_16 {offsets = [0, 0], sizes = [2000, 1], strides = [1, 1]} : vector<2000x16xf32> to vector<2000x1xf32>
    %get3A_17 = arith.constant 1 : index
    %get3A_18 = arith.constant 0 : index
    %get3A_19 = arith.constant 0 : index
    %get3A_20 = vector.load %arg3[%get3A_17, %get3A_18, %get3A_19] : memref<2x2000x16xf32, #tpu.memory_space<vmem>>, vector<1x2000x16xf32>
    %get3A_21 = vector.shape_cast %get3A_20 : vector<1x2000x16xf32> to vector<2000x16xf32>
    %slice3A_22 = vector.extract_strided_slice %get3A_21 {offsets = [0, 0], sizes = [2000, 1], strides = [1, 1]} : vector<2000x16xf32> to vector<2000x1xf32>
    %add3A_23 = arith.addf %slice3A, %slice3A_22 : vector<2000x1xf32>
    %max3A = arith.constant 1.000000e+00 : f32
    %max3A_24 = vector.broadcast %max3A : f32 to vector<2000x1xf32>
    %max3A_25 = arith.maximumf %add3A_23, %max3A_24 : vector<2000x1xf32>
    %div3A = vector.broadcast %max3A_25 : vector<2000x1xf32> to vector<2000x128xf32>
    %div3A_26 = arith.divf %add3A, %div3A : vector<2000x128xf32>
    %add3A_27 = arith.addf %get3A_1, %div3A_26 : vector<2000x128xf32>
    %mul3A = arith.constant 5.000000e-01 : f32
    %mul3A_28 = vector.broadcast %mul3A : f32 to vector<2000x128xf32>
    %mul3A_29 = arith.mulf %mul3A_28, %add3A_27 : vector<2000x128xf32>
    %mul3A_30 = arith.mulf %mul3A_29, %mul3A_29 : vector<2000x128xf32>
    %reduce_sum3A = arith.constant dense<0.000000e+00> : vector<2000xf32>
    %reduce_sum3A_31 = vector.multi_reduction <add>, %mul3A_30, %reduce_sum3A [1] : vector<2000x128xf32> to vector<2000xf32>
    %broadcast_in_dim3A = vector.shape_cast %reduce_sum3A_31 : vector<2000xf32> to vector<2000x1xf32>
    %add3A_32 = arith.constant 1.000000e-15 : f32
    %add3A_33 = vector.broadcast %add3A_32 : f32 to vector<2000x1xf32>
    %add3A_34 = arith.addf %broadcast_in_dim3A, %add3A_33 : vector<2000x1xf32>
    %sqrt3A = math.sqrt %add3A_34 : vector<2000x1xf32>
    %gt3A = arith.constant 0.999989986 : f32
    %gt3A_35 = vector.broadcast %gt3A : f32 to vector<2000x1xf32>
    %gt3A_36 = arith.cmpf ogt, %sqrt3A, %gt3A_35 : vector<2000x1xf32>
    %div3A_37 = arith.constant 0.999989986 : f32
    %div3A_38 = vector.broadcast %div3A_37 : f32 to vector<2000x1xf32>
    %div3A_39 = arith.divf %div3A_38, %sqrt3A : vector<2000x1xf32>
    %broadcast_in_dim3A_40 = arith.constant 1.000000e+00 : f32
    %broadcast_in_dim3A_41 = vector.broadcast %broadcast_in_dim3A_40 : f32 to vector<2000x1xf32>
    %select_n3A = arith.select %gt3A_36, %div3A_39, %broadcast_in_dim3A_41 : vector<2000x1xi1>, vector<2000x1xf32>
    %mul3A_42 = vector.broadcast %select_n3A : vector<2000x1xf32> to vector<2000x128xf32>
    %mul3A_43 = arith.mulf %mul3A_29, %mul3A_42 : vector<2000x128xf32>
    %swap3A = arith.constant 0 : index
    %swap3A_44 = arith.constant 0 : index
    %swap3A_45 = vector.load %arg4[%swap3A, %swap3A_44] : memref<2000x128xf32, #tpu.memory_space<vmem>>, vector<2000x128xf32>
    tpu.vector_store %arg4[%swap3A, %swap3A_44], %mul3A_43 {strides = array<i32>} : memref<2000x128xf32, #tpu.memory_space<vmem>>, vector<2000x128xf32>,
    return
  }
  func.func @transform_0(%arg0: i32) -> (i32, i32) {
    %c0_i32 = arith.constant 0 : i32
    %c0_i32_0 = arith.constant 0 : i32
    return %arg0, %c0_i32 : i32, i32
  }
  func.func @transform_1(%arg0: i32) -> (i32, i32, i32) {
    %c0_i32 = arith.constant 0 : i32
    %c0_i32_0 = arith.constant 0 : i32
    %c0_i32_1 = arith.constant 0 : i32
    return %c0_i32, %arg0, %c0_i32_0 : i32, i32, i32
  }
  func.func @transform_2(%arg0: i32) -> (i32, i32, i32) {
    %c0_i32 = arith.constant 0 : i32
    %c0_i32_0 = arith.constant 0 : i32
    %c0_i32_1 = arith.constant 0 : i32
    return %c0_i32, %arg0, %c0_i32_0 : i32, i32, i32
  }
  func.func @transform_3(%arg0: i32) -> (i32, i32) {
    %c0_i32 = arith.constant 0 : i32
    %c0_i32_0 = arith.constant 0 : i32
    return %arg0, %c0_i32 : i32, i32
  }
}

</mosaic_0001>

<sc_bundles>
// kernel: kernel.11.cloned.1.call-start
scs
__scs_entry_jumppad:
0x0: {  	(pc) =	sbr.rel $0x88, $3  }
0x1: {  	(tag) =	ssettag $0x0;
	lr =	simm.s32 $0x1  }
0x2: {  	[smem:$0x3F9B] =	sst lr;
	_ =	strace $0xD0000000  }
0x3: {  	_ = 	snop  }
0x4: {  	_ = 	snop  }
0x5: {  	_ = 	snop  }
0x6: {  	_ = 	snop  }
0x7: {  	_ = 	snop  }
__scs_overlays_trampoline_lowered:
0x8: {  	[smem:$0x3FAA] =	sst s0  }
0x9: {  	[smem:$0x3FAB] =	sst s1  }
0xa: {  	[smem:$0x3FAC] =	sst s2  }
0xb: {  	[smem:$0x3FAD] =	sst s3  }
0xc: {  	[smem:$0x3FAE] =	sst s4  }
0xd: {  	[smem:$0x3FAF] =	sst s5  }
0xe: {  	[smem:$0x3FB0] =	sst s6  }
0xf: {  	[smem:$0x3FB1] =	sst s7  }
0x10: {  	[smem:$0x3FB2] =	sst s8  }
0x11: {  	[smem:$0x3FB3] =	sst s9;
	s0 =	simm.s32 @!p0 $0x0  }
0x12: {  	s1 =	sld [smem:$0x3F99];
	s0 =	simm.s32 @p0 $0x1  }
0x13: {  	[smem:$0x3FB4] =	sst s0;
	s0 =	simm.s32 @!p1 $0x0  }
0x14: {  	s2 =	sld [smem:$0x3F98];
	s0 =	simm.s32 @p1 $0x1  }
0x15: {  	[smem:$0x3FB5] =	sst s0;
	s0 =	simm.s32 @!p2 $0x0  }
0x16: {  	s3 =	sld [smem:$0x3FDB];
	s0 =	simm.s32 @p2 $0x1  }
0x17: {  	s4 =	simm.s32 $0x1BF5;
	[smem:$0x3FB7] =	sst s0  }
0x18: {  	s0 =	sld [smem:$0x3F9A];
	_ =	swait.ge [sflag:s4], $0x0  }
0x19: {  	s7 =	sld [smem:$0x3F9B]  }
0x1a: {  	s8 =	sadd.s32 $0xFFFFE003, lr  }
0x1b: {  	s9 =	sadd.s32 $0xFFFFFEF7, lr;
	s5 =	simm.s32 $0xFFFFFFFF;
	p2 =	slt.u32 s8, $0xFFFFF086  }
0x1c: {  	p1 =	slt.u32 s9, $0xF7A;
	s5 =	simm.s32 @!p2 $0x0  }
0x1d: {  	s5 =	simm.s32 @p1 $0x1;
	p0 =	seq.s32 s7, s2  }
0x1e: {  	s7 =	smul.u32 @!p0 $0xF7A, s2;
	p2 =	seq.s32 @!p0 s5, $0x0  }
0x1f: {  	s9 =	smul.u32 $0xF7A, s1;
	s8 =	simm.s32 @!p0 $0x1BF5;
	p2 =	por !p2, p0  }
0x20: {  	[sflag:s8] =	ssyncset.s32 @!p0 $0xFFFFF086;
	s6 =	sadd.s32 @!p0 s3, s7;
	s7 =	simm.s32 @!p0 $0x108  }
0x21: {  	s3 =	sadd.s32 s3, s9;
	s6 =	sadd.s32 @!p0 $0x88, s6;
	s7 =	simm.s32 @p2 $0x1082  }
0x22: {  	[simem:s7], [sflag:s8] =	dma.local @!p0 [hbm:s6], $0xF7A  }
0x23: {  	s9 =	sor.u32 $0xD0000000, s2;
	s6 =	simm.s32 $0x108;
	_ =	swait.ge @!p0 [sflag:s8], $0x0  }
0x24: {  	s3 =	sadd.s32 $0x88, s3;
	s6 =	simm.s32 @!p1 $0x1082;
	[sflag:s4] =	ssyncset.s32 $0xFFFFF086  }
0x25: {  	[simem:s6], [sflag:s4] =	dma.local [hbm:s3], $0xF7A  }
0x26: {  	[smem:$0x3F9B] =	sst s1;
	(tag) =	ssettag s2;
	_ =	strace s9  }
0x27: {  	s1 =	sld [smem:$0x3FAB]  }
0x28: {  	s2 =	sld [smem:$0x3FAC]  }
0x29: {  	s4 =	sld [smem:$0x3FAE]  }
0x2a: {  	p0 =	seq.s32 s5, $0x0;
	s5 =	sld [smem:$0x3FAF]  }
0x2b: {  	s6 =	sld [smem:$0x3FB0]  }
0x2c: {  	s7 =	sld [smem:$0x3FB1]  }
0x2d: {  	s3 =	simm.s32 $0x108;
	s8 =	sld [smem:$0x3FB2]  }
0x2e: {  	s3 =	simm.s32 @!p0 $0x1082;
	s9 =	sld [smem:$0x3FB3]  }
0x2f: {  	lr =	sadd.s32 s0, s3;
	s0 =	sld [smem:$0x3FAA]  }
0x30: {  	s3 =	sld [smem:$0x3FAD]  }
0x31: {  	[smem:$0x3FB6] =	sst s10  }
0x32: {  	s10 =	sld [smem:$0x3FB4];
	_ =	sdelay $0x3  }
0x33: {  	p0 =	seq.s32 s10, $0x1;
	s10 =	sld [smem:$0x3FB6];
	_ =	sdelay $0x3  }
0x34: {  	[smem:$0x3FB6] =	sst s10  }
0x35: {  	s10 =	sld [smem:$0x3FB5];
	_ =	sdelay $0x3  }
0x36: {  	p1 =	seq.s32 s10, $0x1;
	s10 =	sld [smem:$0x3FB6];
	_ =	sdelay $0x3  }
0x37: {  	[smem:$0x3FB6] =	sst s10  }
0x38: {  	s10 =	sld [smem:$0x3FB7]  }
0x39: {  	_ = 	snop;
	(pc) =	sbr.ind lr, $3  }
0x3a: {  	_ = 	snop  }
0x3b: {  	_ = 	snop  }
0x3c: {  	p2 =	seq.s32 s10, $0x1;
	s10 =	sld [smem:$0x3FB6]  }
0x3d: {  	_ =	shalt  }
0x3e: {  	_ =	shalt  }
0x3f: {  	_ =	shalt  }
0x40: {  	_ =	shalt  }
0x41: {  	_ =	shalt  }
0x42: {  	_ =	shalt  }
0x43: {  	_ =	shalt  }
0x44: {  	_ =	shalt  }
0x45: {  	_ =	shalt  }
0x46: {  	_ =	shalt  }
0x47: {  	_ =	shalt  }
0x48: {  	_ =	shalt  }
0x49: {  	_ =	shalt  }
0x4a: {  	_ =	shalt  }
0x4b: {  	_ =	shalt  }
0x4c: {  	_ =	shalt  }
0x4d: {  	_ =	shalt  }
0x4e: {  	_ =	shalt  }
0x4f: {  	_ =	shalt  }
0x50: {  	_ =	shalt  }
0x51: {  	_ =	shalt  }
0x52: {  	_ =	shalt  }
0x53: {  	_ =	shalt  }
0x54: {  	_ =	shalt  }
0x55: {  	_ =	shalt  }
0x56: {  	_ =	shalt  }
0x57: {  	_ =	shalt  }
0x58: {  	_ =	shalt  }
0x59: {  	_ =	shalt  }
0x5a: {  	_ =	shalt  }
0x5b: {  	_ =	shalt  }
0x5c: {  	_ =	shalt  }
0x5d: {  	_ =	shalt  }
0x5e: {  	_ =	shalt  }
0x5f: {  	_ =	shalt  }
0x60: {  	_ =	shalt  }
0x61: {  	_ =	shalt  }
0x62: {  	_ =	shalt  }
0x63: {  	_ =	shalt  }
0x64: {  	_ =	shalt  }
0x65: {  	_ =	shalt  }
0x66: {  	_ =	shalt  }
0x67: {  	_ =	shalt  }
0x68: {  	_ =	shalt  }
0x69: {  	_ =	shalt  }
0x6a: {  	_ =	shalt  }
0x6b: {  	_ =	shalt  }
0x6c: {  	_ =	shalt  }
0x6d: {  	_ =	shalt  }
0x6e: {  	_ =	shalt  }
0x6f: {  	_ =	shalt  }
0x70: {  	_ =	shalt  }
0x71: {  	_ =	shalt  }
0x72: {  	_ =	shalt  }
0x73: {  	_ =	shalt  }
0x74: {  	_ =	shalt  }
0x75: {  	_ =	shalt  }
0x76: {  	_ =	shalt  }
0x77: {  	_ =	shalt  }
0x78: {  	_ =	shalt  }
0x79: {  	_ =	shalt  }
0x7a: {  	_ =	shalt  }
0x7b: {  	_ =	shalt  }
0x7c: {  	_ =	shalt  }
0x7d: {  	_ =	shalt  }
0x7e: {  	_ =	shalt  }
0x7f: {  	_ =	shalt  }
0x80: {  	_ =	shalt  }
0x81: {  	_ =	shalt  }
0x82: {  	_ =	shalt  }
0x83: {  	_ =	shalt  }
0x84: {  	_ =	shalt  }
0x85: {  	_ =	shalt  }
0x86: {  	_ =	shalt  }
0x87: {  	_ =	shalt  }
.Lfunc_end0:
.L_simem_size_0:
called_computation.1_lowered:
.L_overlay_start_0:
0x88: {  	s2 =	sld [smem:$0x3FD9]  }
0x89: {  	s3 =	sld [smem:$0x3FFE];
	_ =	sdelay $0x1  }
0x8a: {  	s1 =	srdreg.scid  }
0x8b: {  	s0 =	sand.u32 $0x1, s1  }
0x8c: {  	s17 =	sshll.u32 s0, $0xA;
	s2 =	sadd.s32 s3, s2  }
0x8d: {  	s2 =	sadd.s32 s2, s17  }
0x8e: {  	[smem:$0x3FC2] =	sst s2  }
0x8f: {  	_ = 	snop  }
0x90: {  	s2 =	sld [smem:$0x3FD0];
	(tm) =	ssettm $0x1  }
0x91: {  	s18 =	sld [smem:$0x3FFB];
	_ =	sdelay $0x3  }
0x92: {  	_ =	strace s18  }
0x93: {  	s3 =	sld [smem:$0x3FFC];
	_ =	sdelay $0x3  }
0x94: {  	_ =	strace s3  }
0x95: {  	s3 =	sld [smem:$0x3FFD];
	_ =	sdelay $0x3  }
0x96: {  	_ =	strace s3  }
0x97: {  	_ =	strace $0x8FFFFFFF  }
0x98: {  	s19 =	sld [smem:$0x3FDB];
	_ =	sdelay $0x1  }
0x99: {  	s4 =	simm.s32 $_scs_section_size  }
0x9a: {  	s5 =	simm.s32 $_size__tile_overlayer_lowered;
	s6 =	simm.s32 $_tile_overlayer_lowered  }
0x9b: {  	s22 =	simm.s32 $0x1BFF;
	s21 =	sshll.u32 s6, $0x1;
	s3 =	sadd.s32 s4, s19  }
0x9c: {  	s7 =	simm.s32 $0x0;
	s20 =	sshll.u32 s5, $0x1;
	s5 =	sadd.s32 s21, s3  }
0x9d: {  	[timem:s7], [sflag:s22] =	dma.local [hbm:s5], s20  }
0x9e: {  	_ =	swait.ge [sflag:s22], s20  }
0x9f: {  	s4 =	ssub.s32 $0x0, s20;
	[sflag:s22] =	ssyncset.done $0x0  }
0xa0: {  	[sflag:s22] =	ssyncadd.s32 s4;
	_ =	sdelay $0x1  }
0xa1: {  	s23 =	simm.s32 $0x1B8B  }
0xa2: {  	_ =	swait.ge [sflag:s23], $0x1  }
0xa3: {  	[sflag:s23] =	ssyncset.done $0x0  }
0xa4: {  	s25 =	simm.s32 $0x1B8E;
	s24 =	sld [smem:$0x3FFE];
	[sflag:s23] =	ssyncadd.s32 $0xFFFFFFFF  }
0xa5: {  	s26 =	simm.s32 $execute0_lowered;
	[smem:$0x3FD2] =	sst s25  }
0xa6: {  	s5 =	sshll.u32 s26, $0x1;
	_ =	strace $0x80000049;
	[dreg:$0x1] =	wrdreg $0xFFFFFFFF  }
0xa7: {  	s28 =	simm.s32 $_size_execute0_lowered;
	s3 =	sadd.s32 s3, s5;
	[dreg:$0x0] =	wrdreg $0x0  }
0xa8: {  	s5 =	sshll.u32 s28, $0x1;
	[dreg:$0x2] =	wrdreg s3  }
0xa9: {  	[dreg:$0x3] =	wrdreg s5  }
0xaa: {  	[dreg:$0x4] =	wrdreg $0xC0  }
0xab: {  	_ =	task [dreg:s7], $0x5FFFF  }
0xac: {  	[dreg:$0x1] =	wrdreg $0xFFFFFFFF  }
0xad: {  	[dreg:$0x0] =	wrdreg $0x60  }
0xae: {  	[dreg:$0x2] =	wrdreg s2  }
0xaf: {  	[dreg:$0x3] =	wrdreg s24  }
0xb0: {  	[dreg:$0x4] =	wrdreg $0x49000  }
0xb1: {  	[dreg:$0x5] =	wrdreg $0x189000  }
0xb2: {  	[dreg:$0x6] =	wrdreg $0x9  }
0xb3: {  	_ =	task.clear_ibuf [dreg:s7], $0x7FFFF;
	_ =	strace $0x90000049  }
0xb4: {  	s29 =	simm.s32 $0x9;
	_ =	strace $0x8000004B  }
0xb5: {  	_ =	swait.ge [sflag:s29], $0x1  }
0xb6: {  	[sflag:s29] =	ssyncadd.s32 $0xFFFFFFFF  }
0xb7: {  	_ =	strace $0x9000004B  }
0xb8: {  	_ =	sfence  }
0xb9: {  	s30 =	sld [smem:$0x0];
	_ =	sdelay $0x2  }
0xba: {  	s31 =	sshll.u32 s1, $0xD;
	s1 =	sshrl.u32 s1, $0x2  }
0xbb: {  	s3 =	sand.u32 $0x4000, s31;
	s1 =	sadd.s32 s1, s30  }
0xbc: {  	s0 =	sor.u32 s3, s0;
	s1 =	sshll.u32 s1, $0x11  }
0xbd: {  	s0 =	sor.u32 s1, s0  }
0xbe: {  	s0 =	sadd.s32 $0x8F2B, s0  }
0xbf: {  	[sflag:s0] =	ssyncadd.remote.s32 $0x1  }
0xc0: {  	_ =	sfence.sel $0xFFFF  }
0xc1: {  	[dreg:$0x0] =	wrdreg $0xFFFFFFFF;
	(pc) =	sbr.abs _section_cstart, $3  }
0xc2: {  	[dreg:$0x1] =	wrdreg $0xFFFFFFFF  }
0xc3: {  	_ =	task.clear_ibuf [dreg:s7], $0x2FFFF;
	_ =	strace $0x9FFFFFFF  }
0xc4: {  	(tm) =	ssettm $0x7FFFFFFF  }
0xc5: {  	_ =	shalt  }
tec
execute0_lowered:
.L_overlay_start_1:
0x0: {  	(tag) =	ssettag $0x1  }
0x1: {  	s0 =	rddreg [dreg:$0x0]  }
0x2: {  	s9 =	rddreg [dreg:$0x1]  }
0x3: {  	s1 =	srdreg.scid;
	s3 =	rddreg [dreg:$0x2]  }
0x4: {  	s4 =	rddreg [dreg:$0x3];
	s10 =	sand.u32 $0x1, s1  }
0x5: {  	s1 =	stileid.u32;
	s6 =	smul.u32 $0x27800, s10  }
0x6: {  	s2 =	rddreg [dreg:$0x4];
	s5 =	simm.s32 $0x0;
	s7 =	smul.u32 $0x2780, s1  }
0x7: {  	s19 =	simm.s32 $0x80;
	s20 =	simm.s32 $0x100;
	s8 =	smul.u32 $0x280, s1  }
0x8: {  	s21 =	simm.s32 $0x1;
	[smem:$0x7FF] =	sst s5;
	s28 =	smul.u32 $0x2800, s10  }
0x9: {  	s22 =	simm.s32 $0x0;
	_ =	strace $0x8000004A;
	s13 =	smul.u32 $0x50000, s1  }
0xa: {  	s10 =	ssub.s32 $0x2, s10;
	s16 =	smul.u32 $0xA000, s1;
	s30 =	sshll.u32 s1, $0x6  }
0xb: {  	s15 =	sshrl.u32 s10, $0x1;
	s6 =	sadd.s32 s7, s6;
	s11 =	sadd.s32 s8, s28  }
0xc: {  	s7 =	sadd.s32 $0x16800, s9;
	s8 =	sadd.s32 $0x16600, s9;
	s15 =	ssub.s32 s10, s15  }
0xd: {  	s29 =	sshrl.u32 s13, $0x2;
	s31 =	sshrl.u32 s16, $0x2;
	s16 =	simm.s32 $0x2  }
0xe: {  	s6 =	sshrl.u32 s6, $0x3;
	s12 =	sshll.u32 s11, $0x4;
	s11 =	sshll.u32 s11, $0x1  }
0xf: {  	s17 =	sadd.s32 s29, s3;
	s18 =	sadd.s32 s31, s4;
	s14 =	sadd.s32 s6, s9  }
0x10: {  	s6 =	sadd.s32 $0x16E00, s9;
	s12 =	sadd.s32 s12, s9;
	s11 =	sadd.s32 s11, s9  }
0x11: {  	s9 =	sor.u32 $0x1C02, s30;
	s10 =	sadd.s32 $0x23600, s12;
	s11 =	sadd.s32 $0x19600, s11  }
0x12: {  	s12 =	smax.u32 s15, $0x1;
	s13 =	sadd.s32 $0x2A00, s14;
	s14 =	sadd.s32 $0xC800, s14  }
0x13: {  	s15 =	sshrl.u32 s17, $0x3;
	s17 =	sshrl.u32 s18, $0x3;
	s18 =	simm.s32 $0x4100  }
.LBB2_1:
0x14: {  	[spmem:s15], [sflag:s9] =	dma.local [hbm:s6], $0x2800  }
0x15: {  	_ =	swait.ge [sflag:s16], $0x2800  }
0x16: {  	[sflag:s16] =	ssyncset.done $0x0  }
0x17: {  	[sflag:s16] =	ssyncadd.s32 $0xFFFFD800  }
0x18: {  	[spmem:s17], [sflag:s9] =	dma.local [hbm:s7], $0x500  }
0x19: {  	_ =	swait.ge [sflag:s16], $0x500  }
0x1a: {  	[sflag:s16] =	ssyncset.done $0x0  }
0x1b: {  	[sflag:s16] =	ssyncadd.s32 $0xFFFFFB00  }
0x1c: {  	[tilespmem:s18], [sflag:$0x2] =	stream.linear.gather [hbm4b:s8+s5], $0x800, $0x38;
	[tilespmem:$0x1B100] =	vst v63  }
0x1d: {  	_ =	swait.ge [sflag:s16], $0x800  }
0x1e: {  	[sflag:s16] =	ssyncset.done $0x0  }
0x1f: {  	[sflag:s16] =	ssyncadd.s32 $0xFFFFF800  }
0x20: {  	s23 =	sadd.s32 $0x0, s14;
	[bflag:$0x0] =	sbarrier.arrive $0xFFFF  }
0x21: {  	[tilespmem:s5], [sflag:$0x2] =	stream.linear.gather [hbm4b:s23+s5], $0x80, $0x38;
	[tilespmem:$0x1B100] =	vst v63  }
0x22: {  	_ =	swait.ge [sflag:s16], $0x80  }
0x23: {  	[sflag:s16] =	ssyncset.done $0x0  }
0x24: {  	s31 =	sadd.s32 $0x0, s13;
	[sflag:s16] =	ssyncadd.s32 $0xFFFFFF80  }
0x25: {  	[tilespmem:s19], [sflag:$0x2] =	stream.linear.gather [hbm4b:s31+s5], $0x80, $0x38;
	[tilespmem:$0x1B100] =	vst v63  }
0x26: {  	_ =	swait.ge [sflag:s16], $0x80  }
0x27: {  	[sflag:s16] =	ssyncset.done $0x0  }
0x28: {  	[sflag:s16] =	ssyncadd.s32 $0xFFFFFF80  }
0x29: {  	[tilespmem:s20], [sflag:$0x1] =	stream.indirect.gather [hbm4b:s0+s19], $0x80, s5, s19, $0xb8;
	[tilespmem:$0x1B100] =	vst v63  }
0x2a: {  	_ =	swait.ge [sflag:s21], $0x4000  }
0x2b: {  	[sflag:s21] =	ssyncset.done $0x0  }
0x2c: {  	[sflag:s21] =	ssyncadd.s32 $0xFFFFC000  }
0x2d: {  	[spmem:s3] =	stream.indirect.scatter.add.f32 [tilespmem:s20], [sflag:$0x2], $0x80, s19, s19, $0xb8;
	[tilespmem:$0x1B100] =	vst v63  }
0x2e: {  	_ =	swait.ge [sflag:s16], $0x4000  }
0x2f: {  	[sflag:s16] =	ssyncset.done $0x0  }
0x30: {  	[sflag:s16] =	ssyncadd.s32 $0xFFFFC000  }
0x31: {  	[spmem:s4] =	stream.indirect.scatter.add.f32 [tilespmem:s18], [sflag:$0x2], $0x10, s19, s19, $0xb8;
	[tilespmem:$0x1B100] =	vst v63  }
0x32: {  	_ =	swait.ge [sflag:s16], $0x800  }
0x33: {  	s24 =	simm.s32 $0x20;
	s23 =	simm.s32 $0x10;
	[sflag:s16] =	ssyncset.done $0x0  }
.LBB2_2:
0x34: {  	s25 =	sadd.s32 s23, s14  }
0x35: {  	[sflag:s16] =	ssyncadd.s32 $0xFFFFF800;
	s26 =	smov.u32 s24;
	s28 =	sadd.s32 $0x10, s24  }
0x36: {  	[tilespmem:s5], [sflag:$0x2] =	stream.linear.gather [hbm4b:s25+s5], $0x80, $0x38;
	[tilespmem:$0x1B100] =	vst v63  }
0x37: {  	p0 =	sne.s32 s24, $0x4E0;
	_ =	swait.ge [sflag:s16], $0x80  }
0x38: {  	[sflag:s16] =	ssyncset.done $0x0  }
0x39: {  	s24 =	sadd.s32 s23, s13;
	s23 =	smov.u32 s26;
	[sflag:s16] =	ssyncadd.s32 $0xFFFFFF80  }
0x3a: {  	[tilespmem:s19], [sflag:$0x2] =	stream.linear.gather [hbm4b:s24+s5], $0x80, $0x38;
	[tilespmem:$0x1B100] =	vst v63  }
0x3b: {  	_ =	swait.ge [sflag:s16], $0x80  }
0x3c: {  	[sflag:s16] =	ssyncset.done $0x0  }
0x3d: {  	[sflag:s16] =	ssyncadd.s32 $0xFFFFFF80  }
0x3e: {  	[tilespmem:s20], [sflag:$0x1] =	stream.indirect.gather [hbm4b:s0+s19], $0x80, s5, s19, $0xb8;
	[tilespmem:$0x1B100] =	vst v63  }
0x3f: {  	_ =	swait.ge [sflag:s21], $0x4000  }
0x40: {  	[sflag:s21] =	ssyncset.done $0x0  }
0x41: {  	[sflag:s21] =	ssyncadd.s32 $0xFFFFC000  }
0x42: {  	[spmem:s3] =	stream.indirect.scatter.add.f32 [tilespmem:s20], [sflag:$0x2], $0x80, s19, s19, $0xb8;
	[tilespmem:$0x1B100] =	vst v63  }
0x43: {  	_ =	swait.ge [sflag:s16], $0x4000  }
.Ltmp0:
0x44: {  	[sflag:s16] =	ssyncset.done $0x0;
	(pc) =	sbr.rel @p0 .LBB2_2-.Ltmp0, $4  }
0x45: {  	[sflag:s16] =	ssyncadd.s32 $0xFFFFC000  }
0x46: {  	[spmem:s4] =	stream.indirect.scatter.add.f32 [tilespmem:s18], [sflag:$0x2], $0x10, s19, s19, $0xb8;
	[tilespmem:$0x1B100] =	vst v63  }
0x47: {  	_ =	swait.ge [sflag:s16], $0x800  }
0x48: {  	s24 =	smov.u32 s28;
	[sflag:s16] =	ssyncset.done $0x0  }
0x49: {  	s24 =	sadd.s32 s23, s14;
	[sflag:s16] =	ssyncadd.s32 $0xFFFFF800  }
0x4a: {  	[tilespmem:s5], [sflag:$0x2] =	stream.linear.gather [hbm4b:s24+s5], $0x80, $0x38;
	[tilespmem:$0x1B100] =	vst v63  }
0x4b: {  	_ =	swait.ge [sflag:s16], $0x80  }
0x4c: {  	[sflag:s16] =	ssyncset.done $0x0  }
0x4d: {  	s31 =	sadd.s32 s23, s13;
	[sflag:s16] =	ssyncadd.s32 $0xFFFFFF80  }
0x4e: {  	[tilespmem:s19], [sflag:$0x2] =	stream.linear.gather [hbm4b:s31+s5], $0x80, $0x38;
	[tilespmem:$0x1B100] =	vst v63  }
0x4f: {  	_ =	swait.ge [sflag:s16], $0x80  }
0x50: {  	[sflag:s16] =	ssyncset.done $0x0  }
0x51: {  	[sflag:s16] =	ssyncadd.s32 $0xFFFFFF80  }
0x52: {  	[tilespmem:s20], [sflag:$0x1] =	stream.indirect.gather [hbm4b:s0+s19], $0x80, s5, s19, $0xb8;
	[tilespmem:$0x1B100] =	vst v63  }
0x53: {  	_ =	swait.ge [sflag:s21], $0x4000  }
0x54: {  	[sflag:s21] =	ssyncset.done $0x0  }
0x55: {  	[sflag:s21] =	ssyncadd.s32 $0xFFFFC000  }
0x56: {  	[spmem:s3] =	stream.indirect.scatter.add.f32 [tilespmem:s20], [sflag:$0x2], $0x80, s19, s19, $0xb8;
	[tilespmem:$0x1B100] =	vst v63  }
0x57: {  	_ =	swait.ge [sflag:s16], $0x4000  }
0x58: {  	[sflag:s16] =	ssyncset.done $0x0  }
0x59: {  	[sflag:s16] =	ssyncadd.s32 $0xFFFFC000  }
0x5a: {  	[spmem:s4] =	stream.indirect.scatter.add.f32 [tilespmem:s18], [sflag:$0x2], $0x10, s19, s19, $0xb8;
	[tilespmem:$0x1B100] =	vst v63  }
0x5b: {  	_ =	swait.ge [sflag:s16], $0x800  }
0x5c: {  	[sflag:s16] =	ssyncset.done $0x0  }
0x5d: {  	[sflag:s16] =	ssyncadd.s32 $0xFFFFF800  }
0x5e: {  	[bflag:$0x0] =	sbarrier.arrive $0xFFFF  }
0x5f: {  	[hbm:s10], [sflag:s9] =	dma.local [spmem:s15], $0x2800  }
0x60: {  	s22 =	sadd.s32 $0x1, s22;
	_ =	swait.ge [sflag:s16], $0x2800  }
0x61: {  	p0 =	sne.s32 s22, s12;
	[sflag:s16] =	ssyncset.done $0x0  }
.Ltmp1:
0x62: {  	[sflag:s16] =	ssyncadd.s32 $0xFFFFD800;
	(pc) =	sbr.rel @p0 .LBB2_1-.Ltmp1, $4  }
0x63: {  	[hbm:s11], [sflag:s9] =	dma.local [spmem:s17], $0x500  }
0x64: {  	_ =	swait.ge [sflag:s16], $0x500  }
0x65: {  	[sflag:s16] =	ssyncset.done $0x0  }
0x66: {  	[sflag:s16] =	ssyncadd.s32 $0xFFFFFB00  }
0x67: {  	_ =	sfence.sel $0x180000  }
0x68: {  	[bflag:$0x0] =	sbarrier.arrive $0xFFFF  }
0x69: {  	p0 =	sne.s32 s1, $0x0;
	_ =	strace $0x9000004A  }
0x6a: {  	s0 =	sadd.s32 @!p0 $0x100000, s2;
	[bflag:$0x2] =	sbarrier.arrive $0xFFFF  }
0x6b: {  	[sflag:s0] =	ssyncadd.tile.s32 @!p0 $0x1;
	_ =	shalt  }
.Lfunc_end2:
_tile_overlayer_lowered:
.L_overlay_start_2:
0x6c: {  	(tag) =	ssettag $0x2  }
0x6d: {  	s0 =	rddreg [dreg:$0x0];
	s2 =	stileid.u32  }
0x6e: {  	s1 =	rddreg [dreg:$0x1];
	p0 =	sne.s32 s2, $0x0  }
0x6f: {  	s3 =	rddreg [dreg:$0x2];
	[bflag:$0x3] =	sbarrier.arrive $0xFFFF;
	s2 =	simm.s32 @!p0 $0x1C02  }
0x70: {  	[timem:s3], [sflag:s2] =	dma.local @!p0 [hbm:s0], s1  }
0x71: {  	s0 =	simm.s32 @!p0 $0x2  }
0x72: {  	_ =	swait.ge @!p0 [sflag:s0], s1  }
0x73: {  	s1 =	ssub.s32 @!p0 $0x0, s1;
	[sflag:s0] =	ssyncset.done @!p0 $0x0  }
0x74: {  	[sflag:s0] =	ssyncadd.s32 @!p0 s1  }
0x75: {  	[bflag:$0x3] =	sbarrier.arrive $0xFFFF  }
0x76: {  	_ =	shalt  }

// kernel: kernel.8.cloned.1.call-start
scs
__scs_entry_jumppad:
0x0: {  	(pc) =	sbr.rel $0x88, $3  }
0x1: {  	(tag) =	ssettag $0x0;
	lr =	simm.s32 $0x1  }
0x2: {  	[smem:$0x3F9B] =	sst lr;
	_ =	strace $0xD0000000  }
0x3: {  	_ = 	snop  }
0x4: {  	_ = 	snop  }
0x5: {  	_ = 	snop  }
0x6: {  	_ = 	snop  }
0x7: {  	_ = 	snop  }
__scs_overlays_trampoline_lowered:
0x8: {  	[smem:$0x3FAA] =	sst s0  }
0x9: {  	[smem:$0x3FAB] =	sst s1  }
0xa: {  	[smem:$0x3FAC] =	sst s2  }
0xb: {  	[smem:$0x3FAD] =	sst s3  }
0xc: {  	[smem:$0x3FAE] =	sst s4  }
0xd: {  	[smem:$0x3FAF] =	sst s5  }
0xe: {  	[smem:$0x3FB0] =	sst s6  }
0xf: {  	[smem:$0x3FB1] =	sst s7  }
0x10: {  	[smem:$0x3FB2] =	sst s8  }
0x11: {  	[smem:$0x3FB3] =	sst s9;
	s0 =	simm.s32 @!p0 $0x0  }
0x12: {  	s1 =	sld [smem:$0x3F99];
	s0 =	simm.s32 @p0 $0x1  }
0x13: {  	[smem:$0x3FB4] =	sst s0;
	s0 =	simm.s32 @!p1 $0x0  }
0x14: {  	s2 =	sld [smem:$0x3F98];
	s0 =	simm.s32 @p1 $0x1  }
0x15: {  	[smem:$0x3FB5] =	sst s0;
	s0 =	simm.s32 @!p2 $0x0  }
0x16: {  	s3 =	sld [smem:$0x3FDB];
	s0 =	simm.s32 @p2 $0x1  }
0x17: {  	s4 =	simm.s32 $0x1BF5;
	[smem:$0x3FB7] =	sst s0  }
0x18: {  	s0 =	sld [smem:$0x3F9A];
	_ =	swait.ge [sflag:s4], $0x0  }
0x19: {  	s7 =	sld [smem:$0x3F9B]  }
0x1a: {  	s8 =	sadd.s32 $0xFFFFE003, lr  }
0x1b: {  	s9 =	sadd.s32 $0xFFFFFEF7, lr;
	s5 =	simm.s32 $0xFFFFFFFF;
	p2 =	slt.u32 s8, $0xFFFFF086  }
0x1c: {  	p1 =	slt.u32 s9, $0xF7A;
	s5 =	simm.s32 @!p2 $0x0  }
0x1d: {  	s5 =	simm.s32 @p1 $0x1;
	p0 =	seq.s32 s7, s2  }
0x1e: {  	s7 =	smul.u32 @!p0 $0xF7A, s2;
	p2 =	seq.s32 @!p0 s5, $0x0  }
0x1f: {  	s9 =	smul.u32 $0xF7A, s1;
	s8 =	simm.s32 @!p0 $0x1BF5;
	p2 =	por !p2, p0  }
0x20: {  	[sflag:s8] =	ssyncset.s32 @!p0 $0xFFFFF086;
	s6 =	sadd.s32 @!p0 s3, s7;
	s7 =	simm.s32 @!p0 $0x108  }
0x21: {  	s3 =	sadd.s32 s3, s9;
	s6 =	sadd.s32 @!p0 $0x88, s6;
	s7 =	simm.s32 @p2 $0x1082  }
0x22: {  	[simem:s7], [sflag:s8] =	dma.local @!p0 [hbm:s6], $0xF7A  }
0x23: {  	s9 =	sor.u32 $0xD0000000, s2;
	s6 =	simm.s32 $0x108;
	_ =	swait.ge @!p0 [sflag:s8], $0x0  }
0x24: {  	s3 =	sadd.s32 $0x88, s3;
	s6 =	simm.s32 @!p1 $0x1082;
	[sflag:s4] =	ssyncset.s32 $0xFFFFF086  }
0x25: {  	[simem:s6], [sflag:s4] =	dma.local [hbm:s3], $0xF7A  }
0x26: {  	[smem:$0x3F9B] =	sst s1;
	(tag) =	ssettag s2;
	_ =	strace s9  }
0x27: {  	s1 =	sld [smem:$0x3FAB]  }
0x28: {  	s2 =	sld [smem:$0x3FAC]  }
0x29: {  	s4 =	sld [smem:$0x3FAE]  }
0x2a: {  	p0 =	seq.s32 s5, $0x0;
	s5 =	sld [smem:$0x3FAF]  }
0x2b: {  	s6 =	sld [smem:$0x3FB0]  }
0x2c: {  	s7 =	sld [smem:$0x3FB1]  }
0x2d: {  	s3 =	simm.s32 $0x108;
	s8 =	sld [smem:$0x3FB2]  }
0x2e: {  	s3 =	simm.s32 @!p0 $0x1082;
	s9 =	sld [smem:$0x3FB3]  }
0x2f: {  	lr =	sadd.s32 s0, s3;
	s0 =	sld [smem:$0x3FAA]  }
0x30: {  	s3 =	sld [smem:$0x3FAD]  }
0x31: {  	[smem:$0x3FB6] =	sst s10  }
0x32: {  	s10 =	sld [smem:$0x3FB4];
	_ =	sdelay $0x3  }
0x33: {  	p0 =	seq.s32 s10, $0x1;
	s10 =	sld [smem:$0x3FB6];
	_ =	sdelay $0x3  }
0x34: {  	[smem:$0x3FB6] =	sst s10  }
0x35: {  	s10 =	sld [smem:$0x3FB5];
	_ =	sdelay $0x3  }
0x36: {  	p1 =	seq.s32 s10, $0x1;
	s10 =	sld [smem:$0x3FB6];
	_ =	sdelay $0x3  }
0x37: {  	[smem:$0x3FB6] =	sst s10  }
0x38: {  	s10 =	sld [smem:$0x3FB7]  }
0x39: {  	_ = 	snop;
	(pc) =	sbr.ind lr, $3  }
0x3a: {  	_ = 	snop  }
0x3b: {  	_ = 	snop  }
0x3c: {  	p2 =	seq.s32 s10, $0x1;
	s10 =	sld [smem:$0x3FB6]  }
0x3d: {  	_ =	shalt  }
0x3e: {  	_ =	shalt  }
0x3f: {  	_ =	shalt  }
0x40: {  	_ =	shalt  }
0x41: {  	_ =	shalt  }
0x42: {  	_ =	shalt  }
0x43: {  	_ =	shalt  }
0x44: {  	_ =	shalt  }
0x45: {  	_ =	shalt  }
0x46: {  	_ =	shalt  }
0x47: {  	_ =	shalt  }
0x48: {  	_ =	shalt  }
0x49: {  	_ =	shalt  }
0x4a: {  	_ =	shalt  }
0x4b: {  	_ =	shalt  }
0x4c: {  	_ =	shalt  }
0x4d: {  	_ =	shalt  }
0x4e: {  	_ =	shalt  }
0x4f: {  	_ =	shalt  }
0x50: {  	_ =	shalt  }
0x51: {  	_ =	shalt  }
0x52: {  	_ =	shalt  }
0x53: {  	_ =	shalt  }
0x54: {  	_ =	shalt  }
0x55: {  	_ =	shalt  }
0x56: {  	_ =	shalt  }
0x57: {  	_ =	shalt  }
0x58: {  	_ =	shalt  }
0x59: {  	_ =	shalt  }
0x5a: {  	_ =	shalt  }
0x5b: {  	_ =	shalt  }
0x5c: {  	_ =	shalt  }
0x5d: {  	_ =	shalt  }
0x5e: {  	_ =	shalt  }
0x5f: {  	_ =	shalt  }
0x60: {  	_ =	shalt  }
0x61: {  	_ =	shalt  }
0x62: {  	_ =	shalt  }
0x63: {  	_ =	shalt  }
0x64: {  	_ =	shalt  }
0x65: {  	_ =	shalt  }
0x66: {  	_ =	shalt  }
0x67: {  	_ =	shalt  }
0x68: {  	_ =	shalt  }
0x69: {  	_ =	shalt  }
0x6a: {  	_ =	shalt  }
0x6b: {  	_ =	shalt  }
0x6c: {  	_ =	shalt  }
0x6d: {  	_ =	shalt  }
0x6e: {  	_ =	shalt  }
0x6f: {  	_ =	shalt  }
0x70: {  	_ =	shalt  }
0x71: {  	_ =	shalt  }
0x72: {  	_ =	shalt  }
0x73: {  	_ =	shalt  }
0x74: {  	_ =	shalt  }
0x75: {  	_ =	shalt  }
0x76: {  	_ =	shalt  }
0x77: {  	_ =	shalt  }
0x78: {  	_ =	shalt  }
0x79: {  	_ =	shalt  }
0x7a: {  	_ =	shalt  }
0x7b: {  	_ =	shalt  }
0x7c: {  	_ =	shalt  }
0x7d: {  	_ =	shalt  }
0x7e: {  	_ =	shalt  }
0x7f: {  	_ =	shalt  }
0x80: {  	_ =	shalt  }
0x81: {  	_ =	shalt  }
0x82: {  	_ =	shalt  }
0x83: {  	_ =	shalt  }
0x84: {  	_ =	shalt  }
0x85: {  	_ =	shalt  }
0x86: {  	_ =	shalt  }
0x87: {  	_ =	shalt  }
.Lfunc_end0:
.L_simem_size_0:
called_computation_lowered:
.L_overlay_start_0:
0x88: {  	s2 =	sld [smem:$0x3FD9]  }
0x89: {  	s3 =	sld [smem:$0x3FFE];
	_ =	sdelay $0x1  }
0x8a: {  	s1 =	srdreg.scid  }
0x8b: {  	s0 =	sand.u32 $0x1, s1  }
0x8c: {  	s17 =	sshll.u32 s0, $0xA;
	s2 =	sadd.s32 s3, s2  }
0x8d: {  	s2 =	sadd.s32 s2, s17  }
0x8e: {  	[smem:$0x3FC2] =	sst s2  }
0x8f: {  	_ = 	snop  }
0x90: {  	s2 =	sld [smem:$0x3FD0];
	(tm) =	ssettm $0x1  }
0x91: {  	s18 =	sld [smem:$0x3FFB];
	_ =	sdelay $0x3  }
0x92: {  	_ =	strace s18  }
0x93: {  	s3 =	sld [smem:$0x3FFC];
	_ =	sdelay $0x3  }
0x94: {  	_ =	strace s3  }
0x95: {  	s3 =	sld [smem:$0x3FFD];
	_ =	sdelay $0x3  }
0x96: {  	_ =	strace s3  }
0x97: {  	_ =	strace $0x8FFFFFFF  }
0x98: {  	s19 =	sld [smem:$0x3FDB];
	_ =	sdelay $0x1  }
0x99: {  	s4 =	simm.s32 $_scs_section_size  }
0x9a: {  	s5 =	simm.s32 $_size__tile_overlayer_lowered;
	s6 =	simm.s32 $_tile_overlayer_lowered  }
0x9b: {  	s22 =	simm.s32 $0x1BFF;
	s21 =	sshll.u32 s6, $0x1;
	s3 =	sadd.s32 s4, s19  }
0x9c: {  	s7 =	simm.s32 $0x0;
	s20 =	sshll.u32 s5, $0x1;
	s5 =	sadd.s32 s21, s3  }
0x9d: {  	[timem:s7], [sflag:s22] =	dma.local [hbm:s5], s20  }
0x9e: {  	_ =	swait.ge [sflag:s22], s20  }
0x9f: {  	s4 =	ssub.s32 $0x0, s20;
	[sflag:s22] =	ssyncset.done $0x0  }
0xa0: {  	[sflag:s22] =	ssyncadd.s32 s4;
	_ =	sdelay $0x1  }
0xa1: {  	s23 =	simm.s32 $0x1B8B  }
0xa2: {  	_ =	swait.ge [sflag:s23], $0x1  }
0xa3: {  	[sflag:s23] =	ssyncset.done $0x0  }
0xa4: {  	s25 =	simm.s32 $0x1B8E;
	s24 =	sld [smem:$0x3FFE];
	[sflag:s23] =	ssyncadd.s32 $0xFFFFFFFF  }
0xa5: {  	s26 =	simm.s32 $execute0_lowered;
	[smem:$0x3FD2] =	sst s25  }
0xa6: {  	s5 =	sshll.u32 s26, $0x1;
	_ =	strace $0x80000046;
	[dreg:$0x1] =	wrdreg $0xFFFFFFFF  }
0xa7: {  	s28 =	simm.s32 $_size_execute0_lowered;
	s3 =	sadd.s32 s3, s5;
	[dreg:$0x0] =	wrdreg $0x0  }
0xa8: {  	s5 =	sshll.u32 s28, $0x1;
	[dreg:$0x2] =	wrdreg s3  }
0xa9: {  	[dreg:$0x3] =	wrdreg s5  }
0xaa: {  	[dreg:$0x4] =	wrdreg $0xC0  }
0xab: {  	_ =	task [dreg:s7], $0x5FFFF  }
0xac: {  	[dreg:$0x1] =	wrdreg $0xFFFFFFFF  }
0xad: {  	[dreg:$0x0] =	wrdreg $0x60  }
0xae: {  	[dreg:$0x2] =	wrdreg s2  }
0xaf: {  	[dreg:$0x3] =	wrdreg s24  }
0xb0: {  	[dreg:$0x4] =	wrdreg $0x49000  }
0xb1: {  	[dreg:$0x5] =	wrdreg $0x189000  }
0xb2: {  	[dreg:$0x6] =	wrdreg $0x9  }
0xb3: {  	_ =	task.clear_ibuf [dreg:s7], $0x7FFFF;
	_ =	strace $0x90000046  }
0xb4: {  	s29 =	simm.s32 $0x9;
	_ =	strace $0x80000048  }
0xb5: {  	_ =	swait.ge [sflag:s29], $0x1  }
0xb6: {  	[sflag:s29] =	ssyncadd.s32 $0xFFFFFFFF  }
0xb7: {  	_ =	strace $0x90000048  }
0xb8: {  	_ =	sfence  }
0xb9: {  	s30 =	sld [smem:$0x0];
	_ =	sdelay $0x2  }
0xba: {  	s31 =	sshll.u32 s1, $0xD;
	s1 =	sshrl.u32 s1, $0x2  }
0xbb: {  	s3 =	sand.u32 $0x4000, s31;
	s1 =	sadd.s32 s1, s30  }
0xbc: {  	s0 =	sor.u32 s3, s0;
	s1 =	sshll.u32 s1, $0x11  }
0xbd: {  	s0 =	sor.u32 s1, s0  }
0xbe: {  	s0 =	sadd.s32 $0x8F2B, s0  }
0xbf: {  	[sflag:s0] =	ssyncadd.remote.s32 $0x1  }
0xc0: {  	_ =	sfence.sel $0xFFFF  }
0xc1: {  	[dreg:$0x0] =	wrdreg $0xFFFFFFFF;
	(pc) =	sbr.abs _section_cstart, $3  }
0xc2: {  	[dreg:$0x1] =	wrdreg $0xFFFFFFFF  }
0xc3: {  	_ =	task.clear_ibuf [dreg:s7], $0x2FFFF;
	_ =	strace $0x9FFFFFFF  }
0xc4: {  	(tm) =	ssettm $0x7FFFFFFF  }
0xc5: {  	_ =	shalt  }
tec
execute0_lowered:
.L_overlay_start_1:
0x0: {  	(tag) =	ssettag $0x1  }
0x1: {  	s0 =	rddreg [dreg:$0x0]  }
0x2: {  	s9 =	rddreg [dreg:$0x1]  }
0x3: {  	s1 =	srdreg.scid;
	s3 =	rddreg [dreg:$0x2]  }
0x4: {  	s4 =	rddreg [dreg:$0x3];
	s10 =	sand.u32 $0x1, s1  }
0x5: {  	s1 =	stileid.u32;
	s6 =	smul.u32 $0x27800, s10  }
0x6: {  	s2 =	rddreg [dreg:$0x4];
	s5 =	simm.s32 $0x0;
	s7 =	smul.u32 $0x2780, s1  }
0x7: {  	s19 =	simm.s32 $0x80;
	s20 =	simm.s32 $0x100;
	s8 =	smul.u32 $0x280, s1  }
0x8: {  	s21 =	simm.s32 $0x1;
	[smem:$0x7FF] =	sst s5;
	s28 =	smul.u32 $0x2800, s10  }
0x9: {  	s22 =	simm.s32 $0x0;
	_ =	strace $0x80000047;
	s13 =	smul.u32 $0x50000, s1  }
0xa: {  	s10 =	ssub.s32 $0x2, s10;
	s16 =	smul.u32 $0xA000, s1;
	s30 =	sshll.u32 s1, $0x6  }
0xb: {  	s15 =	sshrl.u32 s10, $0x1;
	s6 =	sadd.s32 s7, s6;
	s11 =	sadd.s32 s8, s28  }
0xc: {  	s7 =	sadd.s32 $0x16800, s9;
	s8 =	sadd.s32 $0x16600, s9;
	s15 =	ssub.s32 s10, s15  }
0xd: {  	s29 =	sshrl.u32 s13, $0x2;
	s31 =	sshrl.u32 s16, $0x2;
	s16 =	simm.s32 $0x2  }
0xe: {  	s6 =	sshrl.u32 s6, $0x3;
	s12 =	sshll.u32 s11, $0x4;
	s11 =	sshll.u32 s11, $0x1  }
0xf: {  	s17 =	sadd.s32 s29, s3;
	s18 =	sadd.s32 s31, s4;
	s14 =	sadd.s32 s6, s9  }
0x10: {  	s6 =	sadd.s32 $0x16E00, s9;
	s12 =	sadd.s32 s12, s9;
	s11 =	sadd.s32 s11, s9  }
0x11: {  	s9 =	sor.u32 $0x1C02, s30;
	s10 =	sadd.s32 $0x23600, s12;
	s11 =	sadd.s32 $0x19600, s11  }
0x12: {  	s12 =	smax.u32 s15, $0x1;
	s13 =	sadd.s32 $0x2A00, s14;
	s14 =	sadd.s32 $0xC800, s14  }
0x13: {  	s15 =	sshrl.u32 s17, $0x3;
	s17 =	sshrl.u32 s18, $0x3;
	s18 =	simm.s32 $0x4100  }
.LBB2_1:
0x14: {  	[spmem:s15], [sflag:s9] =	dma.local [hbm:s6], $0x2800  }
0x15: {  	_ =	swait.ge [sflag:s16], $0x2800  }
0x16: {  	[sflag:s16] =	ssyncset.done $0x0  }
0x17: {  	[sflag:s16] =	ssyncadd.s32 $0xFFFFD800  }
0x18: {  	[spmem:s17], [sflag:s9] =	dma.local [hbm:s7], $0x500  }
0x19: {  	_ =	swait.ge [sflag:s16], $0x500  }
0x1a: {  	[sflag:s16] =	ssyncset.done $0x0  }
0x1b: {  	[sflag:s16] =	ssyncadd.s32 $0xFFFFFB00  }
0x1c: {  	[tilespmem:s18], [sflag:$0x2] =	stream.linear.gather [hbm4b:s8+s5], $0x800, $0x38;
	[tilespmem:$0x1B100] =	vst v63  }
0x1d: {  	_ =	swait.ge [sflag:s16], $0x800  }
0x1e: {  	[sflag:s16] =	ssyncset.done $0x0  }
0x1f: {  	[sflag:s16] =	ssyncadd.s32 $0xFFFFF800  }
0x20: {  	s23 =	sadd.s32 $0x0, s14;
	[bflag:$0x0] =	sbarrier.arrive $0xFFFF  }
0x21: {  	[tilespmem:s5], [sflag:$0x2] =	stream.linear.gather [hbm4b:s23+s5], $0x80, $0x38;
	[tilespmem:$0x1B100] =	vst v63  }
0x22: {  	_ =	swait.ge [sflag:s16], $0x80  }
0x23: {  	[sflag:s16] =	ssyncset.done $0x0  }
0x24: {  	s31 =	sadd.s32 $0x0, s13;
	[sflag:s16] =	ssyncadd.s32 $0xFFFFFF80  }
0x25: {  	[tilespmem:s19], [sflag:$0x2] =	stream.linear.gather [hbm4b:s31+s5], $0x80, $0x38;
	[tilespmem:$0x1B100] =	vst v63  }
0x26: {  	_ =	swait.ge [sflag:s16], $0x80  }
0x27: {  	[sflag:s16] =	ssyncset.done $0x0  }
0x28: {  	[sflag:s16] =	ssyncadd.s32 $0xFFFFFF80  }
0x29: {  	[tilespmem:s20], [sflag:$0x1] =	stream.indirect.gather [hbm4b:s0+s19], $0x80, s5, s19, $0xb8;
	[tilespmem:$0x1B100] =	vst v63  }
0x2a: {  	_ =	swait.ge [sflag:s21], $0x4000  }
0x2b: {  	[sflag:s21] =	ssyncset.done $0x0  }
0x2c: {  	[sflag:s21] =	ssyncadd.s32 $0xFFFFC000  }
0x2d: {  	[spmem:s3] =	stream.indirect.scatter.add.f32 [tilespmem:s20], [sflag:$0x2], $0x80, s19, s19, $0xb8;
	[tilespmem:$0x1B100] =	vst v63  }
0x2e: {  	_ =	swait.ge [sflag:s16], $0x4000  }
0x2f: {  	[sflag:s16] =	ssyncset.done $0x0  }
0x30: {  	[sflag:s16] =	ssyncadd.s32 $0xFFFFC000  }
0x31: {  	[spmem:s4] =	stream.indirect.scatter.add.f32 [tilespmem:s18], [sflag:$0x2], $0x10, s19, s19, $0xb8;
	[tilespmem:$0x1B100] =	vst v63  }
0x32: {  	_ =	swait.ge [sflag:s16], $0x800  }
0x33: {  	s24 =	simm.s32 $0x20;
	s23 =	simm.s32 $0x10;
	[sflag:s16] =	ssyncset.done $0x0  }
.LBB2_2:
0x34: {  	s25 =	sadd.s32 s23, s14  }
0x35: {  	[sflag:s16] =	ssyncadd.s32 $0xFFFFF800;
	s26 =	smov.u32 s24;
	s28 =	sadd.s32 $0x10, s24  }
0x36: {  	[tilespmem:s5], [sflag:$0x2] =	stream.linear.gather [hbm4b:s25+s5], $0x80, $0x38;
	[tilespmem:$0x1B100] =	vst v63  }
0x37: {  	p0 =	sne.s32 s24, $0x4E0;
	_ =	swait.ge [sflag:s16], $0x80  }
0x38: {  	[sflag:s16] =	ssyncset.done $0x0  }
0x39: {  	s24 =	sadd.s32 s23, s13;
	s23 =	smov.u32 s26;
	[sflag:s16] =	ssyncadd.s32 $0xFFFFFF80  }
0x3a: {  	[tilespmem:s19], [sflag:$0x2] =	stream.linear.gather [hbm4b:s24+s5], $0x80, $0x38;
	[tilespmem:$0x1B100] =	vst v63  }
0x3b: {  	_ =	swait.ge [sflag:s16], $0x80  }
0x3c: {  	[sflag:s16] =	ssyncset.done $0x0  }
0x3d: {  	[sflag:s16] =	ssyncadd.s32 $0xFFFFFF80  }
0x3e: {  	[tilespmem:s20], [sflag:$0x1] =	stream.indirect.gather [hbm4b:s0+s19], $0x80, s5, s19, $0xb8;
	[tilespmem:$0x1B100] =	vst v63  }
0x3f: {  	_ =	swait.ge [sflag:s21], $0x4000  }
0x40: {  	[sflag:s21] =	ssyncset.done $0x0  }
0x41: {  	[sflag:s21] =	ssyncadd.s32 $0xFFFFC000  }
0x42: {  	[spmem:s3] =	stream.indirect.scatter.add.f32 [tilespmem:s20], [sflag:$0x2], $0x80, s19, s19, $0xb8;
	[tilespmem:$0x1B100] =	vst v63  }
0x43: {  	_ =	swait.ge [sflag:s16], $0x4000  }
.Ltmp0:
0x44: {  	[sflag:s16] =	ssyncset.done $0x0;
	(pc) =	sbr.rel @p0 .LBB2_2-.Ltmp0, $4  }
0x45: {  	[sflag:s16] =	ssyncadd.s32 $0xFFFFC000  }
0x46: {  	[spmem:s4] =	stream.indirect.scatter.add.f32 [tilespmem:s18], [sflag:$0x2], $0x10, s19, s19, $0xb8;
	[tilespmem:$0x1B100] =	vst v63  }
0x47: {  	_ =	swait.ge [sflag:s16], $0x800  }
0x48: {  	s24 =	smov.u32 s28;
	[sflag:s16] =	ssyncset.done $0x0  }
0x49: {  	s24 =	sadd.s32 s23, s14;
	[sflag:s16] =	ssyncadd.s32 $0xFFFFF800  }
0x4a: {  	[tilespmem:s5], [sflag:$0x2] =	stream.linear.gather [hbm4b:s24+s5], $0x80, $0x38;
	[tilespmem:$0x1B100] =	vst v63  }
0x4b: {  	_ =	swait.ge [sflag:s16], $0x80  }
0x4c: {  	[sflag:s16] =	ssyncset.done $0x0  }
0x4d: {  	s31 =	sadd.s32 s23, s13;
	[sflag:s16] =	ssyncadd.s32 $0xFFFFFF80  }
0x4e: {  	[tilespmem:s19], [sflag:$0x2] =	stream.linear.gather [hbm4b:s31+s5], $0x80, $0x38;
	[tilespmem:$0x1B100] =	vst v63  }
0x4f: {  	_ =	swait.ge [sflag:s16], $0x80  }
0x50: {  	[sflag:s16] =	ssyncset.done $0x0  }
0x51: {  	[sflag:s16] =	ssyncadd.s32 $0xFFFFFF80  }
0x52: {  	[tilespmem:s20], [sflag:$0x1] =	stream.indirect.gather [hbm4b:s0+s19], $0x80, s5, s19, $0xb8;
	[tilespmem:$0x1B100] =	vst v63  }
0x53: {  	_ =	swait.ge [sflag:s21], $0x4000  }
0x54: {  	[sflag:s21] =	ssyncset.done $0x0  }
0x55: {  	[sflag:s21] =	ssyncadd.s32 $0xFFFFC000  }
0x56: {  	[spmem:s3] =	stream.indirect.scatter.add.f32 [tilespmem:s20], [sflag:$0x2], $0x80, s19, s19, $0xb8;
	[tilespmem:$0x1B100] =	vst v63  }
0x57: {  	_ =	swait.ge [sflag:s16], $0x4000  }
0x58: {  	[sflag:s16] =	ssyncset.done $0x0  }
0x59: {  	[sflag:s16] =	ssyncadd.s32 $0xFFFFC000  }
0x5a: {  	[spmem:s4] =	stream.indirect.scatter.add.f32 [tilespmem:s18], [sflag:$0x2], $0x10, s19, s19, $0xb8;
	[tilespmem:$0x1B100] =	vst v63  }
0x5b: {  	_ =	swait.ge [sflag:s16], $0x800  }
0x5c: {  	[sflag:s16] =	ssyncset.done $0x0  }
0x5d: {  	[sflag:s16] =	ssyncadd.s32 $0xFFFFF800  }
0x5e: {  	[bflag:$0x0] =	sbarrier.arrive $0xFFFF  }
0x5f: {  	[hbm:s10], [sflag:s9] =	dma.local [spmem:s15], $0x2800  }
0x60: {  	s22 =	sadd.s32 $0x1, s22;
	_ =	swait.ge [sflag:s16], $0x2800  }
0x61: {  	p0 =	sne.s32 s22, s12;
	[sflag:s16] =	ssyncset.done $0x0  }
.Ltmp1:
0x62: {  	[sflag:s16] =	ssyncadd.s32 $0xFFFFD800;
	(pc) =	sbr.rel @p0 .LBB2_1-.Ltmp1, $4  }
0x63: {  	[hbm:s11], [sflag:s9] =	dma.local [spmem:s17], $0x500  }
0x64: {  	_ =	swait.ge [sflag:s16], $0x500  }
0x65: {  	[sflag:s16] =	ssyncset.done $0x0  }
0x66: {  	[sflag:s16] =	ssyncadd.s32 $0xFFFFFB00  }
0x67: {  	_ =	sfence.sel $0x180000  }
0x68: {  	[bflag:$0x0] =	sbarrier.arrive $0xFFFF  }
0x69: {  	p0 =	sne.s32 s1, $0x0;
	_ =	strace $0x90000047  }
0x6a: {  	s0 =	sadd.s32 @!p0 $0x100000, s2;
	[bflag:$0x2] =	sbarrier.arrive $0xFFFF  }
0x6b: {  	[sflag:s0] =	ssyncadd.tile.s32 @!p0 $0x1;
	_ =	shalt  }
.Lfunc_end2:
_tile_overlayer_lowered:
.L_overlay_start_2:
0x6c: {  	(tag) =	ssettag $0x2  }
0x6d: {  	s0 =	rddreg [dreg:$0x0];
	s2 =	stileid.u32  }
0x6e: {  	s1 =	rddreg [dreg:$0x1];
	p0 =	sne.s32 s2, $0x0  }
0x6f: {  	s3 =	rddreg [dreg:$0x2];
	[bflag:$0x3] =	sbarrier.arrive $0xFFFF;
	s2 =	simm.s32 @!p0 $0x1C02  }
0x70: {  	[timem:s3], [sflag:s2] =	dma.local @!p0 [hbm:s0], s1  }
0x71: {  	s0 =	simm.s32 @!p0 $0x2  }
0x72: {  	_ =	swait.ge @!p0 [sflag:s0], s1  }
0x73: {  	s1 =	ssub.s32 @!p0 $0x0, s1;
	[sflag:s0] =	ssyncset.done @!p0 $0x0  }
0x74: {  	[sflag:s0] =	ssyncadd.s32 @!p0 s1  }
0x75: {  	[bflag:$0x3] =	sbarrier.arrive $0xFFFF  }
0x76: {  	_ =	shalt  }

</sc_bundles>
